<compile_context>
chip_gen: v7x
topology: tpu7x:2x2x1
jax: 0.10.2.dev20260603
libtpu: 0.0.44.dev20260713+nightly
codegen_flags: <defaults>
</compile_context>

<pallas_src>
import functools

import jax
import jax.numpy as jnp
from jax import lax
from jax.experimental import pallas as pl
from jax.experimental.pallas import tpu as pltpu
from jax.experimental.pallas import tpu_sc as plsc

N = 1024
D = 128
E = 32768
K = 257
KPAD = 512

_NC = 2
_NS = 16
_L = 16
_EPT = E // _NS
_CH = 128
_NCH = _EPT // _CH
_HALF = (N * N) // _NC
_SL = _HALF // _NS
_ZB = 8192


def _sc_adj_body(ei_hbm, ew_hbm, out_hbm,
                 src_v, dst_v, ew_v, idx_v, z_v, adj_sh, sem, zsem):
    c = lax.axis_index("c")
    s = lax.axis_index("s")
    ebase = s * _EPT

    ew_cp = pltpu.async_copy(ew_hbm.at[pl.ds(s * _NCH, _NCH)], ew_v, sem)
    pltpu.sync_copy(ei_hbm.at[0, pl.ds(ebase, _EPT)], src_v)
    pltpu.sync_copy(ei_hbm.at[1, pl.ds(ebase, _EPT)], dst_v)

    def _zbody(i, carry):
        z_v[pl.ds(i * _L, _L)] = jnp.zeros((_L,), jnp.float32)
        return carry
    lax.fori_loop(0, _ZB // _L, _zbody, 0)
    zcps = [
        pltpu.async_copy(z_v, adj_sh.at[pl.ds(s * _SL + m * _ZB, _ZB)], zsem)
        for m in range(_SL // _ZB)
    ]
    zcps.append(pltpu.async_copy(z_v.at[pl.ds(0, _L)],
                                 adj_sh.at[pl.ds(_HALF + s * _L, _L)], zsem))

    base = c * _HALF
    dump = _HALF + s * _L

    def _ibody(j, carry):
        for t in range(_CH // _L):
            sv = src_v[pl.ds(j * _CH + t * _L, _L)]
            dv = dst_v[pl.ds(j * _CH + t * _L, _L)]
            fi = sv * N + dv - base
            ok = (fi >= 0) & (fi < _HALF)
            idx_v[j, pl.ds(t * _L, _L)] = jnp.where(ok, fi, dump)
        return carry
    lax.fori_loop(0, _NCH, _ibody, 0)

    ew_cp.wait()
    for cp in zcps:
        cp.wait()
    plsc.subcore_barrier()

    copies = [
        pltpu.async_copy(ew_v.at[j], adj_sh.at[idx_v.at[j]], sem, add=True)
        for j in range(_NCH)
    ]
    for cp in copies:
        cp.wait()

    plsc.subcore_barrier()

    pltpu.sync_copy(adj_sh.at[pl.ds(s * _SL, _SL)],
                    out_hbm.at[pl.ds(c * _HALF + s * _SL, _SL)])


_sc_adj_call = functools.partial(
    pl.kernel,
    out_type=jax.ShapeDtypeStruct((N * N,), jnp.float32),
    mesh=plsc.VectorSubcoreMesh(core_axis_name="c", subcore_axis_name="s",
                                num_cores=_NC, num_subcores=_NS),
    scratch_types=[
        pltpu.VMEM((_EPT,), jnp.int32),
        pltpu.VMEM((_EPT,), jnp.int32),
        pltpu.VMEM((_NCH, _CH), jnp.float32),
        pltpu.VMEM((_NCH, _CH), jnp.int32),
        pltpu.VMEM((_ZB,), jnp.float32),
        pltpu.VMEM_SHARED((_HALF + _NS * _L,), jnp.float32),
        pltpu.SemaphoreType.DMA,
        pltpu.SemaphoreType.DMA,
    ],
)


def _dense_body(ap_ref, x_ref, w_ref, b_ref,
                cx_ref, cadj_ref, s_ref, topk_ref):
    adj = ap_ref[...].reshape(N, N)
    x = x_ref[...]
    W = w_ref[...]
    b = b_ref[0]
    HI = lax.Precision.HIGHEST
    ones_11 = jnp.ones((1, 1), jnp.float32)

    def t_col(v_row):
        return lax.dot_general(v_row, ones_11, (((0,), (0,)), ((), ())),
                               precision=HI)

    def t_row(v_col):
        return lax.dot_general(ones_11, v_col, (((1,), (1,)), ((), ())),
                               precision=HI)

    h = jnp.dot(x, W)
    colsum_row = jnp.sum(adj, axis=0, keepdims=True)
    dinv_row = lax.rsqrt(colsum_row + 1.0)
    dinv_col = t_col(dinv_row)
    vh_col = dinv_col * h
    u_row = jnp.sum(adj * vh_col, axis=0, keepdims=True)
    h_row = t_row(h)
    z_row = dinv_row * u_row + dinv_row * dinv_row * h_row
    alpha_row = jax.nn.sigmoid(jnp.square(z_row + b))
    alpha_col = t_col(alpha_row)

    ii = lax.broadcasted_iota(jnp.int32, (N, N), 0)
    jj = lax.broadcasted_iota(jnp.int32, (N, N), 1)
    beats = (alpha_row > alpha_col) | ((alpha_row == alpha_col) & (jj < ii))
    rank = jnp.sum(jnp.where(beats, 1.0, 0.0), axis=1, keepdims=True)
    cut = jnp.sum(jnp.where(rank == (K - 1.0), alpha_col, 0.0))

    rowsum_col = jnp.sum(adj, axis=1, keepdims=True)
    rowsum_row = t_row(rowsum_col)
    dinvr_col = lax.rsqrt(rowsum_col + 1.0)
    dj_row = lax.rsqrt(rowsum_row + 1.0)
    eye = jnp.where(ii == jj, 1.0, 0.0)
    di_col = jnp.where(rowsum_col > 0.0, dinvr_col, 0.0)
    cuta_row = jax.nn.relu(alpha_row + 1e-7 - cut)
    s0 = (di_col * (adj + eye)) * (dj_row * cuta_row)
    rs = jnp.sum(jnp.abs(s0), axis=1, keepdims=True)
    S = s0 / jnp.maximum(rs, 1e-12)
    s_ref[...] = S

    cx_ref[...] = lax.dot_general(S, x, (((0,), (0,)), ((), ())))
    t1 = jnp.dot(adj, S)
    cadj = lax.dot_general(S, t1, (((0,), (0,)), ((), ())))
    cadj_ref[...] = jnp.floor(cadj * 10000.0) / 10000.0

    iota_k = lax.broadcasted_iota(jnp.int32, (N, KPAD), 1)
    ii_k = lax.broadcasted_iota(jnp.int32, (N, KPAD), 0)
    rank_i = rank.astype(jnp.int32)
    topk_ref[...] = jnp.sum(jnp.where(iota_k == rank_i, ii_k, 0),
                            axis=0, keepdims=True)


_dense_call = functools.partial(
    pl.pallas_call,
    out_shape=[
        jax.ShapeDtypeStruct((N, D), jnp.float32),
        jax.ShapeDtypeStruct((N, N), jnp.float32),
        jax.ShapeDtypeStruct((N, N), jnp.float32),
        jax.ShapeDtypeStruct((1, KPAD), jnp.int32),
    ],
    in_specs=[
        pl.BlockSpec(memory_space=pltpu.VMEM),
        pl.BlockSpec(memory_space=pltpu.VMEM),
        pl.BlockSpec(memory_space=pltpu.VMEM),
        pl.BlockSpec(memory_space=pltpu.SMEM),
    ],
)


def kernel(x, edge_index, edge_attr, W, b):
    ew2d = edge_attr.reshape(E // _CH, _CH)
    parts = _sc_adj_call(_sc_adj_body)(edge_index, ew2d)
    cx, cadj, S, topk = _dense_call(_dense_body)(parts, x, W, b)
    return cx, cadj, S, topk[0, :K]

# --- scband reference (transcript-rebuilt; emitter-appended) ---
"""Pipeline reference for scband-coarsen-block-37726992728632 (READ-ONLY COPY).

The authoritative reference and input builder live on the scoring server;
editing this copy changes nothing except your own understanding.
"""

import jax, jax.numpy as jnp
import numpy as np

N = 1024
D = 128
E = 32768
ASSIGN_RATIO = 0.25


def setup_inputs(seed: int = 0):
    key = jax.random.key(seed)
    k1, k2, k3, k4 = jax.random.split(key, 4)
    x = jax.random.normal(k1, (N, D), dtype=jnp.float32)
    edge_index = jax.random.randint(k2, (2, E), 0, N, dtype=jnp.int32)
    edge_attr = jax.random.uniform(k3, (E, 1), dtype=jnp.float32)
    # GCNConv(in_channels=128, out_channels=1, bias=True) parameters
    W = jax.random.normal(k4, (D, 1), dtype=jnp.float32) * (1.0 / np.sqrt(D))
    b = jnp.zeros((1,), dtype=jnp.float32)
    return {"x": x, "edge_index": edge_index, "edge_attr": edge_attr, "W": W, "b": b}


def gcn_conv(x, edge_index, edge_weight, W, b):
    # Faithful PyG GCNConv with gcn_norm (add self loops, symmetric normalization)
    src, dst = edge_index[0], edge_index[1]
    loop = jnp.arange(N, dtype=src.dtype)
    src2 = jnp.concatenate([src, loop])
    dst2 = jnp.concatenate([dst, loop])
    w2 = jnp.concatenate([edge_weight, jnp.ones((N,), dtype=edge_weight.dtype)])
    deg = jnp.zeros((N,), dtype=jnp.float32).at[dst2].add(w2)
    dinv = jnp.where(deg > 0, deg ** -0.5, 0.0)
    norm = dinv[src2] * w2 * dinv[dst2]
    h = x @ W  # [N, 1]
    out = jnp.zeros((N, 1), dtype=jnp.float32).at[dst2].add(norm[:, None] * h[src2])
    return out + b


def reference(x, edge_index, edge_attr, W, b):
    ew = edge_attr.squeeze(-1).astype(jnp.float32)
    # calculate_attention (batch of one graph)
    alpha = gcn_conv(x, edge_index, ew, W, b)
    alpha = jnp.power(alpha, 2)
    alpha = jax.nn.sigmoid(alpha).squeeze(-1)  # [N]
    # single_graph_forward
    src, dst = edge_index[0], edge_index[1]
    adj = jnp.zeros((N, N), dtype=jnp.float32).at[src, dst].add(ew)
    # normalize_batch_adj
    A = adj + jnp.eye(N, dtype=jnp.float32)
    deg = jnp.clip(A.sum(-1), 1.0, None)
    dinv = deg ** -0.5
    norm_adj = dinv[:, None] * A * dinv[None, :]
    norm_adj = (adj.sum(-1) > 0).astype(jnp.float32)[:, None] * norm_adj
    # topk cut
    num_coarse_nodes = int(N * ASSIGN_RATIO) + 1
    temptopk, topk_ind = jax.lax.top_k(alpha, num_coarse_nodes)
    cut_value = temptopk[-1]
    cut_alpha_vec = jax.nn.relu(alpha + 1e-07 - cut_value)
    # S = norm_adj * repeated cut_alpha (each row is cut_alpha_vec)
    S = norm_adj * cut_alpha_vec[None, :]
    S = S / jnp.maximum(jnp.sum(jnp.abs(S), axis=-1, keepdims=True), 1e-12)
    coarse_x = S.T @ x
    coarse_adj = S.T @ adj @ S
    n_digits = 4
    coarse_adj = jnp.floor(coarse_adj * 10 ** n_digits) / 10 ** n_digits
    return coarse_x, coarse_adj, S, topk_ind

if __name__ == "__main__":
    import jax
    _d = setup_inputs()
    print(jax.jit(kernel)(*tuple(_d.values())))

</pallas_src>

<mosaic_0001>
#map = affine_map<(d0, d1) -> (0, 0)>
#map1 = affine_map<(d0, d1) -> (0)>
module attributes {stable_mosaic.version = 14 : i64} {
  func.func @_sc_adj_body(%arg0: i32, %arg1: i32, %arg2: memref<2x32768xi32, #tpu.memory_space<hbm>>, %arg3: memref<256x128xf32, #tpu.memory_space<hbm>>, %arg4: memref<1048576xf32, #tpu.memory_space<hbm>>, %arg5: memref<2048xi32, #tpu.memory_space<vmem>>, %arg6: memref<2048xi32, #tpu.memory_space<vmem>>, %arg7: memref<16x128xf32, #tpu.memory_space<vmem>>, %arg8: memref<16x128xi32, #tpu.memory_space<vmem>>, %arg9: memref<8192xf32, #tpu.memory_space<vmem>>, %arg10: memref<524544xf32, #tpu.memory_space<vmem_shared>>, %arg11: memref<!tpu.dma_semaphore, #tpu.memory_space<semaphore_mem>>, %arg12: memref<!tpu.dma_semaphore, #tpu.memory_space<semaphore_mem>>) attributes {dimension_semantics = [#tpu.dimension_semantics<core_parallel>, #tpu.dimension_semantics<subcore_parallel>], iteration_bounds = array<i64: 2, 16>, scalar_prefetch = 0 : i64, scratch_operands = 8 : i64, tpu.core_type = #tpu.core_type<sc_vector_subcore>, window_params = [{transform_indices = #map}, {transform_indices = #map}, {transform_indices = #map1}]} {
    %mul3A = arith.constant 2048 : i32
    %mul3A_0 = arith.muli %arg1, %mul3A : i32
    %mul3A_1 = arith.constant 16 : i32
    %mul3A_2 = arith.muli %arg1, %mul3A_1 : i32
    %dma_start3A = arith.constant 0 : i32
    %dma_start3A_3 = tpu.memref_slice %arg3[%mul3A_2, %dma_start3A] : memref<256x128xf32, #tpu.memory_space<hbm>> -> memref<16x128xf32, #tpu.memory_space<hbm>>
    %dma_start3A_4 = arith.constant 0 : i32
    %dma_start3A_5 = tpu.memref_slice %arg3[%mul3A_2, %dma_start3A_4] : memref<256x128xf32, #tpu.memory_space<hbm>> -> memref<16x128xf32, #tpu.memory_space<hbm>>
    tpu.enqueue_dma source(%dma_start3A_5 : memref<16x128xf32, #tpu.memory_space<hbm>>) target(%arg7 : memref<16x128xf32, #tpu.memory_space<vmem>>) target_semaphore(%arg11 : memref<!tpu.dma_semaphore, #tpu.memory_space<semaphore_mem>>)
    %run_scoped3A = arith.constant 0 : i32
    "tpu.region"() ({
      %run_scoped3A_402 = tpu.sem_alloc : memref<!tpu.dma_semaphore, #tpu.memory_space<semaphore_mem>>
      %dma_start3A_403 = tpu.memref_slice %arg2[%run_scoped3A, %mul3A_0] : memref<2x32768xi32, #tpu.memory_space<hbm>> -> memref<1x2048xi32, #tpu.memory_space<hbm>>
      %dma_start3A_404 = tpu.memref_squeeze %dma_start3A_403 : memref<1x2048xi32, #tpu.memory_space<hbm>> -> memref<2048xi32, #tpu.memory_space<hbm>>
      %dma_start3A_405 = tpu.memref_slice %arg2[%run_scoped3A, %mul3A_0] : memref<2x32768xi32, #tpu.memory_space<hbm>> -> memref<1x2048xi32, #tpu.memory_space<hbm>>
      %dma_start3A_406 = tpu.memref_squeeze %dma_start3A_405 : memref<1x2048xi32, #tpu.memory_space<hbm>> -> memref<2048xi32, #tpu.memory_space<hbm>>
      tpu.enqueue_dma source(%dma_start3A_406 : memref<2048xi32, #tpu.memory_space<hbm>>) target(%arg5 : memref<2048xi32, #tpu.memory_space<vmem>>) target_semaphore(%run_scoped3A_402 : memref<!tpu.dma_semaphore, #tpu.memory_space<semaphore_mem>>)
      %dma_wait3A_407 = tpu.memref_slice %arg2[%run_scoped3A, %mul3A_0] : memref<2x32768xi32, #tpu.memory_space<hbm>> -> memref<1x2048xi32, #tpu.memory_space<hbm>>
      %dma_wait3A_408 = tpu.memref_squeeze %dma_wait3A_407 : memref<1x2048xi32, #tpu.memory_space<hbm>> -> memref<2048xi32, #tpu.memory_space<hbm>>
      %dma_wait3A_409 = tpu.memref_slice %arg2[%run_scoped3A, %mul3A_0] : memref<2x32768xi32, #tpu.memory_space<hbm>> -> memref<1x2048xi32, #tpu.memory_space<hbm>>
      %dma_wait3A_410 = tpu.memref_squeeze %dma_wait3A_409 : memref<1x2048xi32, #tpu.memory_space<hbm>> -> memref<2048xi32, #tpu.memory_space<hbm>>
      tpu.wait_dma2 semaphore(%run_scoped3A_402 : memref<!tpu.dma_semaphore, #tpu.memory_space<semaphore_mem>>) src(%dma_wait3A_410 : memref<2048xi32, #tpu.memory_space<hbm>>) dst(%arg5 : memref<2048xi32, #tpu.memory_space<vmem>>)
      tpu.yield
    }) : () -> ()
    %run_scoped3A_6 = arith.constant 1 : i32
    "tpu.region"() ({
      %run_scoped3A_402 = tpu.sem_alloc : memref<!tpu.dma_semaphore, #tpu.memory_space<semaphore_mem>>
      %dma_start3A_403 = tpu.memref_slice %arg2[%run_scoped3A_6, %mul3A_0] : memref<2x32768xi32, #tpu.memory_space<hbm>> -> memref<1x2048xi32, #tpu.memory_space<hbm>>
      %dma_start3A_404 = tpu.memref_squeeze %dma_start3A_403 : memref<1x2048xi32, #tpu.memory_space<hbm>> -> memref<2048xi32, #tpu.memory_space<hbm>>
      %dma_start3A_405 = tpu.memref_slice %arg2[%run_scoped3A_6, %mul3A_0] : memref<2x32768xi32, #tpu.memory_space<hbm>> -> memref<1x2048xi32, #tpu.memory_space<hbm>>
      %dma_start3A_406 = tpu.memref_squeeze %dma_start3A_405 : memref<1x2048xi32, #tpu.memory_space<hbm>> -> memref<2048xi32, #tpu.memory_space<hbm>>
      tpu.enqueue_dma source(%dma_start3A_406 : memref<2048xi32, #tpu.memory_space<hbm>>) target(%arg6 : memref<2048xi32, #tpu.memory_space<vmem>>) target_semaphore(%run_scoped3A_402 : memref<!tpu.dma_semaphore, #tpu.memory_space<semaphore_mem>>)
      %dma_wait3A_407 = tpu.memref_slice %arg2[%run_scoped3A_6, %mul3A_0] : memref<2x32768xi32, #tpu.memory_space<hbm>> -> memref<1x2048xi32, #tpu.memory_space<hbm>>
      %dma_wait3A_408 = tpu.memref_squeeze %dma_wait3A_407 : memref<1x2048xi32, #tpu.memory_space<hbm>> -> memref<2048xi32, #tpu.memory_space<hbm>>
      %dma_wait3A_409 = tpu.memref_slice %arg2[%run_scoped3A_6, %mul3A_0] : memref<2x32768xi32, #tpu.memory_space<hbm>> -> memref<1x2048xi32, #tpu.memory_space<hbm>>
      %dma_wait3A_410 = tpu.memref_squeeze %dma_wait3A_409 : memref<1x2048xi32, #tpu.memory_space<hbm>> -> memref<2048xi32, #tpu.memory_space<hbm>>
      tpu.wait_dma2 semaphore(%run_scoped3A_402 : memref<!tpu.dma_semaphore, #tpu.memory_space<semaphore_mem>>) src(%dma_wait3A_410 : memref<2048xi32, #tpu.memory_space<hbm>>) dst(%arg6 : memref<2048xi32, #tpu.memory_space<vmem>>)
      tpu.yield
    }) : () -> ()
    %scan3A = arith.constant 0 : i32
    %scan3A_7 = arith.constant 0 : i32
    %scan3A_8 = arith.constant 512 : i32
    %scan3A_9 = arith.addi %scan3A_7, %scan3A_8 : i32
    %scan3A_10 = arith.constant 1 : i32
    scf.for %scan3A_402 = %scan3A_7 to %scan3A_9 step %scan3A_10  : i32 {
      %broadcast_in_dim3A = arith.constant 0.000000e+00 : f32
      %broadcast_in_dim3A_403 = vector.broadcast %broadcast_in_dim3A : f32 to vector<16xf32>
      %mul3A_404 = arith.constant 16 : i32
      %mul3A_405 = arith.muli %scan3A_402, %mul3A_404 : i32
      %swap3A = arith.index_cast %mul3A_405 : i32 to index
      %swap3A_406 = tpu.vector_load %arg9[%swap3A] {strides = array<i32>} : memref<8192xf32, #tpu.memory_space<vmem>>, vector<16xf32>,
      %swap3A_407 = vector.shape_cast %swap3A_406 : vector<16xf32> to vector<16xf32>
      %swap3A_408 = vector.shape_cast %broadcast_in_dim3A_403 : vector<16xf32> to vector<16xf32>
      tpu.vector_store %arg9[%swap3A], %swap3A_408 {strides = array<i32>} : memref<8192xf32, #tpu.memory_space<vmem>>, vector<16xf32>,
    }
    %scan3A_11 = arith.constant 512 : i32
    %mul3A_12 = arith.constant 32768 : i32
    %mul3A_13 = arith.muli %arg1, %mul3A_12 : i32
    %add3A = arith.constant 0 : i32
    %add3A_14 = arith.addi %mul3A_13, %add3A : i32
    %dma_start3A_15 = tpu.memref_slice %arg10[%add3A_14] : memref<524544xf32, #tpu.memory_space<vmem_shared>> -> memref<8192xf32, #tpu.memory_space<vmem_shared>>
    %dma_start3A_16 = tpu.memref_slice %arg10[%add3A_14] : memref<524544xf32, #tpu.memory_space<vmem_shared>> -> memref<8192xf32, #tpu.memory_space<vmem_shared>>
    tpu.enqueue_dma source(%arg9 : memref<8192xf32, #tpu.memory_space<vmem>>) target(%dma_start3A_16 : memref<8192xf32, #tpu.memory_space<vmem_shared>>) target_semaphore(%arg12 : memref<!tpu.dma_semaphore, #tpu.memory_space<semaphore_mem>>)
    %mul3A_17 = arith.constant 32768 : i32
    %mul3A_18 = arith.muli %arg1, %mul3A_17 : i32
    %add3A_19 = arith.constant 8192 : i32
    %add3A_20 = arith.addi %mul3A_18, %add3A_19 : i32
    %dma_start3A_21 = tpu.memref_slice %arg10[%add3A_20] : memref<524544xf32, #tpu.memory_space<vmem_shared>> -> memref<8192xf32, #tpu.memory_space<vmem_shared>>
    %dma_start3A_22 = tpu.memref_slice %arg10[%add3A_20] : memref<524544xf32, #tpu.memory_space<vmem_shared>> -> memref<8192xf32, #tpu.memory_space<vmem_shared>>
    tpu.enqueue_dma source(%arg9 : memref<8192xf32, #tpu.memory_space<vmem>>) target(%dma_start3A_22 : memref<8192xf32, #tpu.memory_space<vmem_shared>>) target_semaphore(%arg12 : memref<!tpu.dma_semaphore, #tpu.memory_space<semaphore_mem>>)
    %mul3A_23 = arith.constant 32768 : i32
    %mul3A_24 = arith.muli %arg1, %mul3A_23 : i32
    %add3A_25 = arith.constant 16384 : i32
    %add3A_26 = arith.addi %mul3A_24, %add3A_25 : i32
    %dma_start3A_27 = tpu.memref_slice %arg10[%add3A_26] : memref<524544xf32, #tpu.memory_space<vmem_shared>> -> memref<8192xf32, #tpu.memory_space<vmem_shared>>
    %dma_start3A_28 = tpu.memref_slice %arg10[%add3A_26] : memref<524544xf32, #tpu.memory_space<vmem_shared>> -> memref<8192xf32, #tpu.memory_space<vmem_shared>>
    tpu.enqueue_dma source(%arg9 : memref<8192xf32, #tpu.memory_space<vmem>>) target(%dma_start3A_28 : memref<8192xf32, #tpu.memory_space<vmem_shared>>) target_semaphore(%arg12 : memref<!tpu.dma_semaphore, #tpu.memory_space<semaphore_mem>>)
    %mul3A_29 = arith.constant 32768 : i32
    %mul3A_30 = arith.muli %arg1, %mul3A_29 : i32
    %add3A_31 = arith.constant 24576 : i32
    %add3A_32 = arith.addi %mul3A_30, %add3A_31 : i32
    %dma_start3A_33 = tpu.memref_slice %arg10[%add3A_32] : memref<524544xf32, #tpu.memory_space<vmem_shared>> -> memref<8192xf32, #tpu.memory_space<vmem_shared>>
    %dma_start3A_34 = tpu.memref_slice %arg10[%add3A_32] : memref<524544xf32, #tpu.memory_space<vmem_shared>> -> memref<8192xf32, #tpu.memory_space<vmem_shared>>
    tpu.enqueue_dma source(%arg9 : memref<8192xf32, #tpu.memory_space<vmem>>) target(%dma_start3A_34 : memref<8192xf32, #tpu.memory_space<vmem_shared>>) target_semaphore(%arg12 : memref<!tpu.dma_semaphore, #tpu.memory_space<semaphore_mem>>)
    %mul3A_35 = arith.constant 16 : i32
    %mul3A_36 = arith.muli %arg1, %mul3A_35 : i32
    %add3A_37 = arith.constant 524288 : i32
    %add3A_38 = arith.addi %add3A_37, %mul3A_36 : i32
    %dma_start3A_39 = arith.constant 0 : i32
    %dma_start3A_40 = tpu.memref_slice %arg9[%dma_start3A_39] : memref<8192xf32, #tpu.memory_space<vmem>> -> memref<16xf32, #tpu.memory_space<vmem>>
    %dma_start3A_41 = tpu.memref_slice %arg10[%add3A_38] : memref<524544xf32, #tpu.memory_space<vmem_shared>> -> memref<16xf32, #tpu.memory_space<vmem_shared>>
    %dma_start3A_42 = tpu.memref_slice %arg10[%add3A_38] : memref<524544xf32, #tpu.memory_space<vmem_shared>> -> memref<16xf32, #tpu.memory_space<vmem_shared>>
    %dma_start3A_43 = arith.constant 0 : i32
    %dma_start3A_44 = tpu.memref_slice %arg9[%dma_start3A_43] : memref<8192xf32, #tpu.memory_space<vmem>> -> memref<16xf32, #tpu.memory_space<vmem>>
    tpu.enqueue_dma source(%dma_start3A_44 : memref<16xf32, #tpu.memory_space<vmem>>) target(%dma_start3A_42 : memref<16xf32, #tpu.memory_space<vmem_shared>>) target_semaphore(%arg12 : memref<!tpu.dma_semaphore, #tpu.memory_space<semaphore_mem>>)
    %mul3A_45 = arith.constant 524288 : i32
    %mul3A_46 = arith.muli %arg0, %mul3A_45 : i32
    %mul3A_47 = arith.constant 16 : i32
    %mul3A_48 = arith.muli %arg1, %mul3A_47 : i32
    %add3A_49 = arith.constant 524288 : i32
    %add3A_50 = arith.addi %add3A_49, %mul3A_48 : i32
    %scan3A_51 = arith.constant 0 : i32
    %scan3A_52 = arith.constant 0 : i32
    %scan3A_53 = arith.constant 16 : i32
    %scan3A_54 = arith.addi %scan3A_52, %scan3A_53 : i32
    %scan3A_55 = arith.constant 1 : i32
    scf.for %scan3A_402 = %scan3A_52 to %scan3A_54 step %scan3A_55  : i32 {
      %mul3A_403 = arith.constant 128 : i32
      %mul3A_404 = arith.muli %scan3A_402, %mul3A_403 : i32
      %add3A_405 = arith.constant 0 : i32
      %add3A_406 = arith.addi %mul3A_404, %add3A_405 : i32
      %get3A = arith.index_cast %add3A_406 : i32 to index
      %get3A_407 = tpu.vector_load %arg5[%get3A] {strides = array<i32>} : memref<2048xi32, #tpu.memory_space<vmem>>, vector<16xi32>,
      %get3A_408 = vector.shape_cast %get3A_407 : vector<16xi32> to vector<16xi32>
      %mul3A_409 = arith.constant 128 : i32
      %mul3A_410 = arith.muli %scan3A_402, %mul3A_409 : i32
      %add3A_411 = arith.constant 0 : i32
      %add3A_412 = arith.addi %mul3A_410, %add3A_411 : i32
      %get3A_413 = arith.index_cast %add3A_412 : i32 to index
      %get3A_414 = tpu.vector_load %arg6[%get3A_413] {strides = array<i32>} : memref<2048xi32, #tpu.memory_space<vmem>>, vector<16xi32>,
      %get3A_415 = vector.shape_cast %get3A_414 : vector<16xi32> to vector<16xi32>
      %mul3A_416 = arith.constant 1024 : i32
      %mul3A_417 = vector.broadcast %mul3A_416 : i32 to vector<16xi32>
      %mul3A_418 = arith.muli %get3A_408, %mul3A_417 : vector<16xi32>
      %add3A_419 = arith.addi %mul3A_418, %get3A_415 : vector<16xi32>
      %sub3A = vector.broadcast %mul3A_46 : i32 to vector<16xi32>
      %sub3A_420 = arith.subi %add3A_419, %sub3A : vector<16xi32>
      %ge3A = arith.constant 0 : i32
      %ge3A_421 = vector.broadcast %ge3A : i32 to vector<16xi32>
      %ge3A_422 = arith.cmpi sge, %sub3A_420, %ge3A_421 : vector<16xi32>
      %lt3A = arith.constant 524288 : i32
      %lt3A_423 = vector.broadcast %lt3A : i32 to vector<16xi32>
      %lt3A_424 = arith.cmpi slt, %sub3A_420, %lt3A_423 : vector<16xi32>
      %and3A = arith.andi %ge3A_422, %lt3A_424 : vector<16xi1>
      %broadcast_in_dim3A = vector.broadcast %add3A_50 : i32 to vector<16xi32>
      %select_n3A = arith.select %and3A, %sub3A_420, %broadcast_in_dim3A : vector<16xi1>, vector<16xi32>
      %swap3A = arith.index_cast %scan3A_402 : i32 to index
      %swap3A_425 = arith.constant 0 : index
      %swap3A_426 = tpu.vector_load %arg8[%swap3A, %swap3A_425] {strides = array<i32>} : memref<16x128xi32, #tpu.memory_space<vmem>>, vector<1x16xi32>,
      %swap3A_427 = vector.shape_cast %swap3A_426 : vector<1x16xi32> to vector<16xi32>
      %swap3A_428 = vector.shape_cast %select_n3A : vector<16xi32> to vector<1x16xi32>
      tpu.vector_store %arg8[%swap3A, %swap3A_425], %swap3A_428 {strides = array<i32>} : memref<16x128xi32, #tpu.memory_space<vmem>>, vector<1x16xi32>,
      %mul3A_429 = arith.constant 128 : i32
      %mul3A_430 = arith.muli %scan3A_402, %mul3A_429 : i32
      %add3A_431 = arith.constant 16 : i32
      %add3A_432 = arith.addi %mul3A_430, %add3A_431 : i32
      %get3A_433 = arith.index_cast %add3A_432 : i32 to index
      %get3A_434 = tpu.vector_load %arg5[%get3A_433] {strides = array<i32>} : memref<2048xi32, #tpu.memory_space<vmem>>, vector<16xi32>,
      %get3A_435 = vector.shape_cast %get3A_434 : vector<16xi32> to vector<16xi32>
      %mul3A_436 = arith.constant 128 : i32
      %mul3A_437 = arith.muli %scan3A_402, %mul3A_436 : i32
      %add3A_438 = arith.constant 16 : i32
      %add3A_439 = arith.addi %mul3A_437, %add3A_438 : i32
      %get3A_440 = arith.index_cast %add3A_439 : i32 to index
      %get3A_441 = tpu.vector_load %arg6[%get3A_440] {strides = array<i32>} : memref<2048xi32, #tpu.memory_space<vmem>>, vector<16xi32>,
      %get3A_442 = vector.shape_cast %get3A_441 : vector<16xi32> to vector<16xi32>
      %mul3A_443 = arith.constant 1024 : i32
      %mul3A_444 = vector.broadcast %mul3A_443 : i32 to vector<16xi32>
      %mul3A_445 = arith.muli %get3A_435, %mul3A_444 : vector<16xi32>
      %add3A_446 = arith.addi %mul3A_445, %get3A_442 : vector<16xi32>
      %sub3A_447 = vector.broadcast %mul3A_46 : i32 to vector<16xi32>
      %sub3A_448 = arith.subi %add3A_446, %sub3A_447 : vector<16xi32>
      %ge3A_449 = arith.constant 0 : i32
      %ge3A_450 = vector.broadcast %ge3A_449 : i32 to vector<16xi32>
      %ge3A_451 = arith.cmpi sge, %sub3A_448, %ge3A_450 : vector<16xi32>
      %lt3A_452 = arith.constant 524288 : i32
      %lt3A_453 = vector.broadcast %lt3A_452 : i32 to vector<16xi32>
      %lt3A_454 = arith.cmpi slt, %sub3A_448, %lt3A_453 : vector<16xi32>
      %and3A_455 = arith.andi %ge3A_451, %lt3A_454 : vector<16xi1>
      %broadcast_in_dim3A_456 = vector.broadcast %add3A_50 : i32 to vector<16xi32>
      %select_n3A_457 = arith.select %and3A_455, %sub3A_448, %broadcast_in_dim3A_456 : vector<16xi1>, vector<16xi32>
      %swap3A_458 = arith.index_cast %scan3A_402 : i32 to index
      %swap3A_459 = arith.constant 16 : index
      %swap3A_460 = tpu.vector_load %arg8[%swap3A_458, %swap3A_459] {strides = array<i32>} : memref<16x128xi32, #tpu.memory_space<vmem>>, vector<1x16xi32>,
      %swap3A_461 = vector.shape_cast %swap3A_460 : vector<1x16xi32> to vector<16xi32>
      %swap3A_462 = vector.shape_cast %select_n3A_457 : vector<16xi32> to vector<1x16xi32>
      tpu.vector_store %arg8[%swap3A_458, %swap3A_459], %swap3A_462 {strides = array<i32>} : memref<16x128xi32, #tpu.memory_space<vmem>>, vector<1x16xi32>,
      %mul3A_463 = arith.constant 128 : i32
      %mul3A_464 = arith.muli %scan3A_402, %mul3A_463 : i32
      %add3A_465 = arith.constant 32 : i32
      %add3A_466 = arith.addi %mul3A_464, %add3A_465 : i32
      %get3A_467 = arith.index_cast %add3A_466 : i32 to index
      %get3A_468 = tpu.vector_load %arg5[%get3A_467] {strides = array<i32>} : memref<2048xi32, #tpu.memory_space<vmem>>, vector<16xi32>,
      %get3A_469 = vector.shape_cast %get3A_468 : vector<16xi32> to vector<16xi32>
      %mul3A_470 = arith.constant 128 : i32
      %mul3A_471 = arith.muli %scan3A_402, %mul3A_470 : i32
      %add3A_472 = arith.constant 32 : i32
      %add3A_473 = arith.addi %mul3A_471, %add3A_472 : i32
      %get3A_474 = arith.index_cast %add3A_473 : i32 to index
      %get3A_475 = tpu.vector_load %arg6[%get3A_474] {strides = array<i32>} : memref<2048xi32, #tpu.memory_space<vmem>>, vector<16xi32>,
      %get3A_476 = vector.shape_cast %get3A_475 : vector<16xi32> to vector<16xi32>
      %mul3A_477 = arith.constant 1024 : i32
      %mul3A_478 = vector.broadcast %mul3A_477 : i32 to vector<16xi32>
      %mul3A_479 = arith.muli %get3A_469, %mul3A_478 : vector<16xi32>
      %add3A_480 = arith.addi %mul3A_479, %get3A_476 : vector<16xi32>
      %sub3A_481 = vector.broadcast %mul3A_46 : i32 to vector<16xi32>
      %sub3A_482 = arith.subi %add3A_480, %sub3A_481 : vector<16xi32>
      %ge3A_483 = arith.constant 0 : i32
      %ge3A_484 = vector.broadcast %ge3A_483 : i32 to vector<16xi32>
      %ge3A_485 = arith.cmpi sge, %sub3A_482, %ge3A_484 : vector<16xi32>
      %lt3A_486 = arith.constant 524288 : i32
      %lt3A_487 = vector.broadcast %lt3A_486 : i32 to vector<16xi32>
      %lt3A_488 = arith.cmpi slt, %sub3A_482, %lt3A_487 : vector<16xi32>
      %and3A_489 = arith.andi %ge3A_485, %lt3A_488 : vector<16xi1>
      %broadcast_in_dim3A_490 = vector.broadcast %add3A_50 : i32 to vector<16xi32>
      %select_n3A_491 = arith.select %and3A_489, %sub3A_482, %broadcast_in_dim3A_490 : vector<16xi1>, vector<16xi32>
      %swap3A_492 = arith.index_cast %scan3A_402 : i32 to index
      %swap3A_493 = arith.constant 32 : index
      %swap3A_494 = tpu.vector_load %arg8[%swap3A_492, %swap3A_493] {strides = array<i32>} : memref<16x128xi32, #tpu.memory_space<vmem>>, vector<1x16xi32>,
      %swap3A_495 = vector.shape_cast %swap3A_494 : vector<1x16xi32> to vector<16xi32>
      %swap3A_496 = vector.shape_cast %select_n3A_491 : vector<16xi32> to vector<1x16xi32>
      tpu.vector_store %arg8[%swap3A_492, %swap3A_493], %swap3A_496 {strides = array<i32>} : memref<16x128xi32, #tpu.memory_space<vmem>>, vector<1x16xi32>,
      %mul3A_497 = arith.constant 128 : i32
      %mul3A_498 = arith.muli %scan3A_402, %mul3A_497 : i32
      %add3A_499 = arith.constant 48 : i32
      %add3A_500 = arith.addi %mul3A_498, %add3A_499 : i32
      %get3A_501 = arith.index_cast %add3A_500 : i32 to index
      %get3A_502 = tpu.vector_load %arg5[%get3A_501] {strides = array<i32>} : memref<2048xi32, #tpu.memory_space<vmem>>, vector<16xi32>,
      %get3A_503 = vector.shape_cast %get3A_502 : vector<16xi32> to vector<16xi32>
      %mul3A_504 = arith.constant 128 : i32
      %mul3A_505 = arith.muli %scan3A_402, %mul3A_504 : i32
      %add3A_506 = arith.constant 48 : i32
      %add3A_507 = arith.addi %mul3A_505, %add3A_506 : i32
      %get3A_508 = arith.index_cast %add3A_507 : i32 to index
      %get3A_509 = tpu.vector_load %arg6[%get3A_508] {strides = array<i32>} : memref<2048xi32, #tpu.memory_space<vmem>>, vector<16xi32>,
      %get3A_510 = vector.shape_cast %get3A_509 : vector<16xi32> to vector<16xi32>
      %mul3A_511 = arith.constant 1024 : i32
      %mul3A_512 = vector.broadcast %mul3A_511 : i32 to vector<16xi32>
      %mul3A_513 = arith.muli %get3A_503, %mul3A_512 : vector<16xi32>
      %add3A_514 = arith.addi %mul3A_513, %get3A_510 : vector<16xi32>
      %sub3A_515 = vector.broadcast %mul3A_46 : i32 to vector<16xi32>
      %sub3A_516 = arith.subi %add3A_514, %sub3A_515 : vector<16xi32>
      %ge3A_517 = arith.constant 0 : i32
      %ge3A_518 = vector.broadcast %ge3A_517 : i32 to vector<16xi32>
      %ge3A_519 = arith.cmpi sge, %sub3A_516, %ge3A_518 : vector<16xi32>
      %lt3A_520 = arith.constant 524288 : i32
      %lt3A_521 = vector.broadcast %lt3A_520 : i32 to vector<16xi32>
      %lt3A_522 = arith.cmpi slt, %sub3A_516, %lt3A_521 : vector<16xi32>
      %and3A_523 = arith.andi %ge3A_519, %lt3A_522 : vector<16xi1>
      %broadcast_in_dim3A_524 = vector.broadcast %add3A_50 : i32 to vector<16xi32>
      %select_n3A_525 = arith.select %and3A_523, %sub3A_516, %broadcast_in_dim3A_524 : vector<16xi1>, vector<16xi32>
      %swap3A_526 = arith.index_cast %scan3A_402 : i32 to index
      %swap3A_527 = arith.constant 48 : index
      %swap3A_528 = tpu.vector_load %arg8[%swap3A_526, %swap3A_527] {strides = array<i32>} : memref<16x128xi32, #tpu.memory_space<vmem>>, vector<1x16xi32>,
      %swap3A_529 = vector.shape_cast %swap3A_528 : vector<1x16xi32> to vector<16xi32>
      %swap3A_530 = vector.shape_cast %select_n3A_525 : vector<16xi32> to vector<1x16xi32>
      tpu.vector_store %arg8[%swap3A_526, %swap3A_527], %swap3A_530 {strides = array<i32>} : memref<16x128xi32, #tpu.memory_space<vmem>>, vector<1x16xi32>,
      %mul3A_531 = arith.constant 128 : i32
      %mul3A_532 = arith.muli %scan3A_402, %mul3A_531 : i32
      %add3A_533 = arith.constant 64 : i32
      %add3A_534 = arith.addi %mul3A_532, %add3A_533 : i32
      %get3A_535 = arith.index_cast %add3A_534 : i32 to index
      %get3A_536 = tpu.vector_load %arg5[%get3A_535] {strides = array<i32>} : memref<2048xi32, #tpu.memory_space<vmem>>, vector<16xi32>,
      %get3A_537 = vector.shape_cast %get3A_536 : vector<16xi32> to vector<16xi32>
      %mul3A_538 = arith.constant 128 : i32
      %mul3A_539 = arith.muli %scan3A_402, %mul3A_538 : i32
      %add3A_540 = arith.constant 64 : i32
      %add3A_541 = arith.addi %mul3A_539, %add3A_540 : i32
      %get3A_542 = arith.index_cast %add3A_541 : i32 to index
      %get3A_543 = tpu.vector_load %arg6[%get3A_542] {strides = array<i32>} : memref<2048xi32, #tpu.memory_space<vmem>>, vector<16xi32>,
      %get3A_544 = vector.shape_cast %get3A_543 : vector<16xi32> to vector<16xi32>
      %mul3A_545 = arith.constant 1024 : i32
      %mul3A_546 = vector.broadcast %mul3A_545 : i32 to vector<16xi32>
      %mul3A_547 = arith.muli %get3A_537, %mul3A_546 : vector<16xi32>
      %add3A_548 = arith.addi %mul3A_547, %get3A_544 : vector<16xi32>
      %sub3A_549 = vector.broadcast %mul3A_46 : i32 to vector<16xi32>
      %sub3A_550 = arith.subi %add3A_548, %sub3A_549 : vector<16xi32>
      %ge3A_551 = arith.constant 0 : i32
      %ge3A_552 = vector.broadcast %ge3A_551 : i32 to vector<16xi32>
      %ge3A_553 = arith.cmpi sge, %sub3A_550, %ge3A_552 : vector<16xi32>
      %lt3A_554 = arith.constant 524288 : i32
      %lt3A_555 = vector.broadcast %lt3A_554 : i32 to vector<16xi32>
      %lt3A_556 = arith.cmpi slt, %sub3A_550, %lt3A_555 : vector<16xi32>
      %and3A_557 = arith.andi %ge3A_553, %lt3A_556 : vector<16xi1>
      %broadcast_in_dim3A_558 = vector.broadcast %add3A_50 : i32 to vector<16xi32>
      %select_n3A_559 = arith.select %and3A_557, %sub3A_550, %broadcast_in_dim3A_558 : vector<16xi1>, vector<16xi32>
      %swap3A_560 = arith.index_cast %scan3A_402 : i32 to index
      %swap3A_561 = arith.constant 64 : index
      %swap3A_562 = tpu.vector_load %arg8[%swap3A_560, %swap3A_561] {strides = array<i32>} : memref<16x128xi32, #tpu.memory_space<vmem>>, vector<1x16xi32>,
      %swap3A_563 = vector.shape_cast %swap3A_562 : vector<1x16xi32> to vector<16xi32>
      %swap3A_564 = vector.shape_cast %select_n3A_559 : vector<16xi32> to vector<1x16xi32>
      tpu.vector_store %arg8[%swap3A_560, %swap3A_561], %swap3A_564 {strides = array<i32>} : memref<16x128xi32, #tpu.memory_space<vmem>>, vector<1x16xi32>,
      %mul3A_565 = arith.constant 128 : i32
      %mul3A_566 = arith.muli %scan3A_402, %mul3A_565 : i32
      %add3A_567 = arith.constant 80 : i32
      %add3A_568 = arith.addi %mul3A_566, %add3A_567 : i32
      %get3A_569 = arith.index_cast %add3A_568 : i32 to index
      %get3A_570 = tpu.vector_load %arg5[%get3A_569] {strides = array<i32>} : memref<2048xi32, #tpu.memory_space<vmem>>, vector<16xi32>,
      %get3A_571 = vector.shape_cast %get3A_570 : vector<16xi32> to vector<16xi32>
      %mul3A_572 = arith.constant 128 : i32
      %mul3A_573 = arith.muli %scan3A_402, %mul3A_572 : i32
      %add3A_574 = arith.constant 80 : i32
      %add3A_575 = arith.addi %mul3A_573, %add3A_574 : i32
      %get3A_576 = arith.index_cast %add3A_575 : i32 to index
      %get3A_577 = tpu.vector_load %arg6[%get3A_576] {strides = array<i32>} : memref<2048xi32, #tpu.memory_space<vmem>>, vector<16xi32>,
      %get3A_578 = vector.shape_cast %get3A_577 : vector<16xi32> to vector<16xi32>
      %mul3A_579 = arith.constant 1024 : i32
      %mul3A_580 = vector.broadcast %mul3A_579 : i32 to vector<16xi32>
      %mul3A_581 = arith.muli %get3A_571, %mul3A_580 : vector<16xi32>
      %add3A_582 = arith.addi %mul3A_581, %get3A_578 : vector<16xi32>
      %sub3A_583 = vector.broadcast %mul3A_46 : i32 to vector<16xi32>
      %sub3A_584 = arith.subi %add3A_582, %sub3A_583 : vector<16xi32>
      %ge3A_585 = arith.constant 0 : i32
      %ge3A_586 = vector.broadcast %ge3A_585 : i32 to vector<16xi32>
      %ge3A_587 = arith.cmpi sge, %sub3A_584, %ge3A_586 : vector<16xi32>
      %lt3A_588 = arith.constant 524288 : i32
      %lt3A_589 = vector.broadcast %lt3A_588 : i32 to vector<16xi32>
      %lt3A_590 = arith.cmpi slt, %sub3A_584, %lt3A_589 : vector<16xi32>
      %and3A_591 = arith.andi %ge3A_587, %lt3A_590 : vector<16xi1>
      %broadcast_in_dim3A_592 = vector.broadcast %add3A_50 : i32 to vector<16xi32>
      %select_n3A_593 = arith.select %and3A_591, %sub3A_584, %broadcast_in_dim3A_592 : vector<16xi1>, vector<16xi32>
      %swap3A_594 = arith.index_cast %scan3A_402 : i32 to index
      %swap3A_595 = arith.constant 80 : index
      %swap3A_596 = tpu.vector_load %arg8[%swap3A_594, %swap3A_595] {strides = array<i32>} : memref<16x128xi32, #tpu.memory_space<vmem>>, vector<1x16xi32>,
      %swap3A_597 = vector.shape_cast %swap3A_596 : vector<1x16xi32> to vector<16xi32>
      %swap3A_598 = vector.shape_cast %select_n3A_593 : vector<16xi32> to vector<1x16xi32>
      tpu.vector_store %arg8[%swap3A_594, %swap3A_595], %swap3A_598 {strides = array<i32>} : memref<16x128xi32, #tpu.memory_space<vmem>>, vector<1x16xi32>,
      %mul3A_599 = arith.constant 128 : i32
      %mul3A_600 = arith.muli %scan3A_402, %mul3A_599 : i32
      %add3A_601 = arith.constant 96 : i32
      %add3A_602 = arith.addi %mul3A_600, %add3A_601 : i32
      %get3A_603 = arith.index_cast %add3A_602 : i32 to index
      %get3A_604 = tpu.vector_load %arg5[%get3A_603] {strides = array<i32>} : memref<2048xi32, #tpu.memory_space<vmem>>, vector<16xi32>,
      %get3A_605 = vector.shape_cast %get3A_604 : vector<16xi32> to vector<16xi32>
      %mul3A_606 = arith.constant 128 : i32
      %mul3A_607 = arith.muli %scan3A_402, %mul3A_606 : i32
      %add3A_608 = arith.constant 96 : i32
      %add3A_609 = arith.addi %mul3A_607, %add3A_608 : i32
      %get3A_610 = arith.index_cast %add3A_609 : i32 to index
      %get3A_611 = tpu.vector_load %arg6[%get3A_610] {strides = array<i32>} : memref<2048xi32, #tpu.memory_space<vmem>>, vector<16xi32>,
      %get3A_612 = vector.shape_cast %get3A_611 : vector<16xi32> to vector<16xi32>
      %mul3A_613 = arith.constant 1024 : i32
      %mul3A_614 = vector.broadcast %mul3A_613 : i32 to vector<16xi32>
      %mul3A_615 = arith.muli %get3A_605, %mul3A_614 : vector<16xi32>
      %add3A_616 = arith.addi %mul3A_615, %get3A_612 : vector<16xi32>
      %sub3A_617 = vector.broadcast %mul3A_46 : i32 to vector<16xi32>
      %sub3A_618 = arith.subi %add3A_616, %sub3A_617 : vector<16xi32>
      %ge3A_619 = arith.constant 0 : i32
      %ge3A_620 = vector.broadcast %ge3A_619 : i32 to vector<16xi32>
      %ge3A_621 = arith.cmpi sge, %sub3A_618, %ge3A_620 : vector<16xi32>
      %lt3A_622 = arith.constant 524288 : i32
      %lt3A_623 = vector.broadcast %lt3A_622 : i32 to vector<16xi32>
      %lt3A_624 = arith.cmpi slt, %sub3A_618, %lt3A_623 : vector<16xi32>
      %and3A_625 = arith.andi %ge3A_621, %lt3A_624 : vector<16xi1>
      %broadcast_in_dim3A_626 = vector.broadcast %add3A_50 : i32 to vector<16xi32>
      %select_n3A_627 = arith.select %and3A_625, %sub3A_618, %broadcast_in_dim3A_626 : vector<16xi1>, vector<16xi32>
      %swap3A_628 = arith.index_cast %scan3A_402 : i32 to index
      %swap3A_629 = arith.constant 96 : index
      %swap3A_630 = tpu.vector_load %arg8[%swap3A_628, %swap3A_629] {strides = array<i32>} : memref<16x128xi32, #tpu.memory_space<vmem>>, vector<1x16xi32>,
      %swap3A_631 = vector.shape_cast %swap3A_630 : vector<1x16xi32> to vector<16xi32>
      %swap3A_632 = vector.shape_cast %select_n3A_627 : vector<16xi32> to vector<1x16xi32>
      tpu.vector_store %arg8[%swap3A_628, %swap3A_629], %swap3A_632 {strides = array<i32>} : memref<16x128xi32, #tpu.memory_space<vmem>>, vector<1x16xi32>,
      %mul3A_633 = arith.constant 128 : i32
      %mul3A_634 = arith.muli %scan3A_402, %mul3A_633 : i32
      %add3A_635 = arith.constant 112 : i32
      %add3A_636 = arith.addi %mul3A_634, %add3A_635 : i32
      %get3A_637 = arith.index_cast %add3A_636 : i32 to index
      %get3A_638 = tpu.vector_load %arg5[%get3A_637] {strides = array<i32>} : memref<2048xi32, #tpu.memory_space<vmem>>, vector<16xi32>,
      %get3A_639 = vector.shape_cast %get3A_638 : vector<16xi32> to vector<16xi32>
      %mul3A_640 = arith.constant 128 : i32
      %mul3A_641 = arith.muli %scan3A_402, %mul3A_640 : i32
      %add3A_642 = arith.constant 112 : i32
      %add3A_643 = arith.addi %mul3A_641, %add3A_642 : i32
      %get3A_644 = arith.index_cast %add3A_643 : i32 to index
      %get3A_645 = tpu.vector_load %arg6[%get3A_644] {strides = array<i32>} : memref<2048xi32, #tpu.memory_space<vmem>>, vector<16xi32>,
      %get3A_646 = vector.shape_cast %get3A_645 : vector<16xi32> to vector<16xi32>
      %mul3A_647 = arith.constant 1024 : i32
      %mul3A_648 = vector.broadcast %mul3A_647 : i32 to vector<16xi32>
      %mul3A_649 = arith.muli %get3A_639, %mul3A_648 : vector<16xi32>
      %add3A_650 = arith.addi %mul3A_649, %get3A_646 : vector<16xi32>
      %sub3A_651 = vector.broadcast %mul3A_46 : i32 to vector<16xi32>
      %sub3A_652 = arith.subi %add3A_650, %sub3A_651 : vector<16xi32>
      %ge3A_653 = arith.constant 0 : i32
      %ge3A_654 = vector.broadcast %ge3A_653 : i32 to vector<16xi32>
      %ge3A_655 = arith.cmpi sge, %sub3A_652, %ge3A_654 : vector<16xi32>
      %lt3A_656 = arith.constant 524288 : i32
      %lt3A_657 = vector.broadcast %lt3A_656 : i32 to vector<16xi32>
      %lt3A_658 = arith.cmpi slt, %sub3A_652, %lt3A_657 : vector<16xi32>
      %and3A_659 = arith.andi %ge3A_655, %lt3A_658 : vector<16xi1>
      %broadcast_in_dim3A_660 = vector.broadcast %add3A_50 : i32 to vector<16xi32>
      %select_n3A_661 = arith.select %and3A_659, %sub3A_652, %broadcast_in_dim3A_660 : vector<16xi1>, vector<16xi32>
      %swap3A_662 = arith.index_cast %scan3A_402 : i32 to index
      %swap3A_663 = arith.constant 112 : index
      %swap3A_664 = tpu.vector_load %arg8[%swap3A_662, %swap3A_663] {strides = array<i32>} : memref<16x128xi32, #tpu.memory_space<vmem>>, vector<1x16xi32>,
      %swap3A_665 = vector.shape_cast %swap3A_664 : vector<1x16xi32> to vector<16xi32>
      %swap3A_666 = vector.shape_cast %select_n3A_661 : vector<16xi32> to vector<1x16xi32>
      tpu.vector_store %arg8[%swap3A_662, %swap3A_663], %swap3A_666 {strides = array<i32>} : memref<16x128xi32, #tpu.memory_space<vmem>>, vector<1x16xi32>,
    }
    %scan3A_56 = arith.constant 16 : i32
    %dma_wait3A = arith.constant 0 : i32
    %dma_wait3A_57 = tpu.memref_slice %arg3[%mul3A_2, %dma_wait3A] : memref<256x128xf32, #tpu.memory_space<hbm>> -> memref<16x128xf32, #tpu.memory_space<hbm>>
    %dma_wait3A_58 = arith.constant 0 : i32
    %dma_wait3A_59 = tpu.memref_slice %arg3[%mul3A_2, %dma_wait3A_58] : memref<256x128xf32, #tpu.memory_space<hbm>> -> memref<16x128xf32, #tpu.memory_space<hbm>>
    tpu.wait_dma2 semaphore(%arg11 : memref<!tpu.dma_semaphore, #tpu.memory_space<semaphore_mem>>) src(%dma_wait3A_59 : memref<16x128xf32, #tpu.memory_space<hbm>>) dst(%arg7 : memref<16x128xf32, #tpu.memory_space<vmem>>)
    %dma_wait3A_60 = tpu.memref_slice %arg10[%add3A_14] : memref<524544xf32, #tpu.memory_space<vmem_shared>> -> memref<8192xf32, #tpu.memory_space<vmem_shared>>
    %dma_wait3A_61 = tpu.memref_slice %arg10[%add3A_14] : memref<524544xf32, #tpu.memory_space<vmem_shared>> -> memref<8192xf32, #tpu.memory_space<vmem_shared>>
    tpu.wait_dma2 semaphore(%arg12 : memref<!tpu.dma_semaphore, #tpu.memory_space<semaphore_mem>>) src(%arg9 : memref<8192xf32, #tpu.memory_space<vmem>>) dst(%dma_wait3A_61 : memref<8192xf32, #tpu.memory_space<vmem_shared>>)
    %dma_wait3A_62 = tpu.memref_slice %arg10[%add3A_20] : memref<524544xf32, #tpu.memory_space<vmem_shared>> -> memref<8192xf32, #tpu.memory_space<vmem_shared>>
    %dma_wait3A_63 = tpu.memref_slice %arg10[%add3A_20] : memref<524544xf32, #tpu.memory_space<vmem_shared>> -> memref<8192xf32, #tpu.memory_space<vmem_shared>>
    tpu.wait_dma2 semaphore(%arg12 : memref<!tpu.dma_semaphore, #tpu.memory_space<semaphore_mem>>) src(%arg9 : memref<8192xf32, #tpu.memory_space<vmem>>) dst(%dma_wait3A_63 : memref<8192xf32, #tpu.memory_space<vmem_shared>>)
    %dma_wait3A_64 = tpu.memref_slice %arg10[%add3A_26] : memref<524544xf32, #tpu.memory_space<vmem_shared>> -> memref<8192xf32, #tpu.memory_space<vmem_shared>>
    %dma_wait3A_65 = tpu.memref_slice %arg10[%add3A_26] : memref<524544xf32, #tpu.memory_space<vmem_shared>> -> memref<8192xf32, #tpu.memory_space<vmem_shared>>
    tpu.wait_dma2 semaphore(%arg12 : memref<!tpu.dma_semaphore, #tpu.memory_space<semaphore_mem>>) src(%arg9 : memref<8192xf32, #tpu.memory_space<vmem>>) dst(%dma_wait3A_65 : memref<8192xf32, #tpu.memory_space<vmem_shared>>)
    %dma_wait3A_66 = tpu.memref_slice %arg10[%add3A_32] : memref<524544xf32, #tpu.memory_space<vmem_shared>> -> memref<8192xf32, #tpu.memory_space<vmem_shared>>
    %dma_wait3A_67 = tpu.memref_slice %arg10[%add3A_32] : memref<524544xf32, #tpu.memory_space<vmem_shared>> -> memref<8192xf32, #tpu.memory_space<vmem_shared>>
    tpu.wait_dma2 semaphore(%arg12 : memref<!tpu.dma_semaphore, #tpu.memory_space<semaphore_mem>>) src(%arg9 : memref<8192xf32, #tpu.memory_space<vmem>>) dst(%dma_wait3A_67 : memref<8192xf32, #tpu.memory_space<vmem_shared>>)
    %dma_wait3A_68 = arith.constant 0 : i32
    %dma_wait3A_69 = tpu.memref_slice %arg9[%dma_wait3A_68] : memref<8192xf32, #tpu.memory_space<vmem>> -> memref<16xf32, #tpu.memory_space<vmem>>
    %dma_wait3A_70 = tpu.memref_slice %arg10[%add3A_38] : memref<524544xf32, #tpu.memory_space<vmem_shared>> -> memref<16xf32, #tpu.memory_space<vmem_shared>>
    %dma_wait3A_71 = tpu.memref_slice %arg10[%add3A_38] : memref<524544xf32, #tpu.memory_space<vmem_shared>> -> memref<16xf32, #tpu.memory_space<vmem_shared>>
    %dma_wait3A_72 = arith.constant 0 : i32
    %dma_wait3A_73 = tpu.memref_slice %arg9[%dma_wait3A_72] : memref<8192xf32, #tpu.memory_space<vmem>> -> memref<16xf32, #tpu.memory_space<vmem>>
    tpu.wait_dma2 semaphore(%arg12 : memref<!tpu.dma_semaphore, #tpu.memory_space<semaphore_mem>>) src(%dma_wait3A_73 : memref<16xf32, #tpu.memory_space<vmem>>) dst(%dma_wait3A_71 : memref<16xf32, #tpu.memory_space<vmem_shared>>)
    %barrier3A = arith.constant 0 : index
    tpu.barrier barrier_id(%barrier3A)
    %dma_start3A_74 = arith.constant 0 : i32
    %dma_start3A_75 = arith.constant 0 : i32
    %dma_start3A_76 = arith.constant 0 : i32
    %dma_start3A_77 = tpu.memref_slice %arg7[%dma_start3A_74, %dma_start3A_76] : memref<16x128xf32, #tpu.memory_space<vmem>> -> memref<1x128xf32, #tpu.memory_space<vmem>>
    %dma_start3A_78 = tpu.memref_squeeze %dma_start3A_77 : memref<1x128xf32, #tpu.memory_space<vmem>> -> memref<128xf32, #tpu.memory_space<vmem>>
    %dma_start3A_79 = arith.constant 0 : i32
    %dma_start3A_80 = tpu.memref_slice %arg8[%dma_start3A_75, %dma_start3A_79] : memref<16x128xi32, #tpu.memory_space<vmem>> -> memref<1x128xi32, #tpu.memory_space<vmem>>
    %dma_start3A_81 = tpu.memref_squeeze %dma_start3A_80 : memref<1x128xi32, #tpu.memory_space<vmem>> -> memref<128xi32, #tpu.memory_space<vmem>>
    %dma_start3A_82 = arith.constant 0 : i32
    %dma_start3A_83 = tpu.memref_slice %arg10[%dma_start3A_82] : memref<524544xf32, #tpu.memory_space<vmem_shared>> -> memref<524544xf32, #tpu.memory_space<vmem_shared>>
    tpu.enqueue_indirect_dma source(%dma_start3A_78 : memref<128xf32, #tpu.memory_space<vmem>>) target(%dma_start3A_83 : memref<524544xf32, #tpu.memory_space<vmem_shared>>) offsets(%dma_start3A_81 : memref<128xi32, #tpu.memory_space<vmem>>) semaphore(%arg11 : memref<!tpu.dma_semaphore, #tpu.memory_space<semaphore_mem>>) {add = true}
    %dma_start3A_84 = arith.constant 1 : i32
    %dma_start3A_85 = arith.constant 1 : i32
    %dma_start3A_86 = arith.constant 0 : i32
    %dma_start3A_87 = tpu.memref_slice %arg7[%dma_start3A_84, %dma_start3A_86] : memref<16x128xf32, #tpu.memory_space<vmem>> -> memref<1x128xf32, #tpu.memory_space<vmem>>
    %dma_start3A_88 = tpu.memref_squeeze %dma_start3A_87 : memref<1x128xf32, #tpu.memory_space<vmem>> -> memref<128xf32, #tpu.memory_space<vmem>>
    %dma_start3A_89 = arith.constant 0 : i32
    %dma_start3A_90 = tpu.memref_slice %arg8[%dma_start3A_85, %dma_start3A_89] : memref<16x128xi32, #tpu.memory_space<vmem>> -> memref<1x128xi32, #tpu.memory_space<vmem>>
    %dma_start3A_91 = tpu.memref_squeeze %dma_start3A_90 : memref<1x128xi32, #tpu.memory_space<vmem>> -> memref<128xi32, #tpu.memory_space<vmem>>
    %dma_start3A_92 = arith.constant 0 : i32
    %dma_start3A_93 = tpu.memref_slice %arg10[%dma_start3A_92] : memref<524544xf32, #tpu.memory_space<vmem_shared>> -> memref<524544xf32, #tpu.memory_space<vmem_shared>>
    tpu.enqueue_indirect_dma source(%dma_start3A_88 : memref<128xf32, #tpu.memory_space<vmem>>) target(%dma_start3A_93 : memref<524544xf32, #tpu.memory_space<vmem_shared>>) offsets(%dma_start3A_91 : memref<128xi32, #tpu.memory_space<vmem>>) semaphore(%arg11 : memref<!tpu.dma_semaphore, #tpu.memory_space<semaphore_mem>>) {add = true}
    %dma_start3A_94 = arith.constant 2 : i32
    %dma_start3A_95 = arith.constant 2 : i32
    %dma_start3A_96 = arith.constant 0 : i32
    %dma_start3A_97 = tpu.memref_slice %arg7[%dma_start3A_94, %dma_start3A_96] : memref<16x128xf32, #tpu.memory_space<vmem>> -> memref<1x128xf32, #tpu.memory_space<vmem>>
    %dma_start3A_98 = tpu.memref_squeeze %dma_start3A_97 : memref<1x128xf32, #tpu.memory_space<vmem>> -> memref<128xf32, #tpu.memory_space<vmem>>
    %dma_start3A_99 = arith.constant 0 : i32
    %dma_start3A_100 = tpu.memref_slice %arg8[%dma_start3A_95, %dma_start3A_99] : memref<16x128xi32, #tpu.memory_space<vmem>> -> memref<1x128xi32, #tpu.memory_space<vmem>>
    %dma_start3A_101 = tpu.memref_squeeze %dma_start3A_100 : memref<1x128xi32, #tpu.memory_space<vmem>> -> memref<128xi32, #tpu.memory_space<vmem>>
    %dma_start3A_102 = arith.constant 0 : i32
    %dma_start3A_103 = tpu.memref_slice %arg10[%dma_start3A_102] : memref<524544xf32, #tpu.memory_space<vmem_shared>> -> memref<524544xf32, #tpu.memory_space<vmem_shared>>
    tpu.enqueue_indirect_dma source(%dma_start3A_98 : memref<128xf32, #tpu.memory_space<vmem>>) target(%dma_start3A_103 : memref<524544xf32, #tpu.memory_space<vmem_shared>>) offsets(%dma_start3A_101 : memref<128xi32, #tpu.memory_space<vmem>>) semaphore(%arg11 : memref<!tpu.dma_semaphore, #tpu.memory_space<semaphore_mem>>) {add = true}
    %dma_start3A_104 = arith.constant 3 : i32
    %dma_start3A_105 = arith.constant 3 : i32
    %dma_start3A_106 = arith.constant 0 : i32
    %dma_start3A_107 = tpu.memref_slice %arg7[%dma_start3A_104, %dma_start3A_106] : memref<16x128xf32, #tpu.memory_space<vmem>> -> memref<1x128xf32, #tpu.memory_space<vmem>>
    %dma_start3A_108 = tpu.memref_squeeze %dma_start3A_107 : memref<1x128xf32, #tpu.memory_space<vmem>> -> memref<128xf32, #tpu.memory_space<vmem>>
    %dma_start3A_109 = arith.constant 0 : i32
    %dma_start3A_110 = tpu.memref_slice %arg8[%dma_start3A_105, %dma_start3A_109] : memref<16x128xi32, #tpu.memory_space<vmem>> -> memref<1x128xi32, #tpu.memory_space<vmem>>
    %dma_start3A_111 = tpu.memref_squeeze %dma_start3A_110 : memref<1x128xi32, #tpu.memory_space<vmem>> -> memref<128xi32, #tpu.memory_space<vmem>>
    %dma_start3A_112 = arith.constant 0 : i32
    %dma_start3A_113 = tpu.memref_slice %arg10[%dma_start3A_112] : memref<524544xf32, #tpu.memory_space<vmem_shared>> -> memref<524544xf32, #tpu.memory_space<vmem_shared>>
    tpu.enqueue_indirect_dma source(%dma_start3A_108 : memref<128xf32, #tpu.memory_space<vmem>>) target(%dma_start3A_113 : memref<524544xf32, #tpu.memory_space<vmem_shared>>) offsets(%dma_start3A_111 : memref<128xi32, #tpu.memory_space<vmem>>) semaphore(%arg11 : memref<!tpu.dma_semaphore, #tpu.memory_space<semaphore_mem>>) {add = true}
    %dma_start3A_114 = arith.constant 4 : i32
    %dma_start3A_115 = arith.constant 4 : i32
    %dma_start3A_116 = arith.constant 0 : i32
    %dma_start3A_117 = tpu.memref_slice %arg7[%dma_start3A_114, %dma_start3A_116] : memref<16x128xf32, #tpu.memory_space<vmem>> -> memref<1x128xf32, #tpu.memory_space<vmem>>
    %dma_start3A_118 = tpu.memref_squeeze %dma_start3A_117 : memref<1x128xf32, #tpu.memory_space<vmem>> -> memref<128xf32, #tpu.memory_space<vmem>>
    %dma_start3A_119 = arith.constant 0 : i32
    %dma_start3A_120 = tpu.memref_slice %arg8[%dma_start3A_115, %dma_start3A_119] : memref<16x128xi32, #tpu.memory_space<vmem>> -> memref<1x128xi32, #tpu.memory_space<vmem>>
    %dma_start3A_121 = tpu.memref_squeeze %dma_start3A_120 : memref<1x128xi32, #tpu.memory_space<vmem>> -> memref<128xi32, #tpu.memory_space<vmem>>
    %dma_start3A_122 = arith.constant 0 : i32
    %dma_start3A_123 = tpu.memref_slice %arg10[%dma_start3A_122] : memref<524544xf32, #tpu.memory_space<vmem_shared>> -> memref<524544xf32, #tpu.memory_space<vmem_shared>>
    tpu.enqueue_indirect_dma source(%dma_start3A_118 : memref<128xf32, #tpu.memory_space<vmem>>) target(%dma_start3A_123 : memref<524544xf32, #tpu.memory_space<vmem_shared>>) offsets(%dma_start3A_121 : memref<128xi32, #tpu.memory_space<vmem>>) semaphore(%arg11 : memref<!tpu.dma_semaphore, #tpu.memory_space<semaphore_mem>>) {add = true}
    %dma_start3A_124 = arith.constant 5 : i32
    %dma_start3A_125 = arith.constant 5 : i32
    %dma_start3A_126 = arith.constant 0 : i32
    %dma_start3A_127 = tpu.memref_slice %arg7[%dma_start3A_124, %dma_start3A_126] : memref<16x128xf32, #tpu.memory_space<vmem>> -> memref<1x128xf32, #tpu.memory_space<vmem>>
    %dma_start3A_128 = tpu.memref_squeeze %dma_start3A_127 : memref<1x128xf32, #tpu.memory_space<vmem>> -> memref<128xf32, #tpu.memory_space<vmem>>
    %dma_start3A_129 = arith.constant 0 : i32
    %dma_start3A_130 = tpu.memref_slice %arg8[%dma_start3A_125, %dma_start3A_129] : memref<16x128xi32, #tpu.memory_space<vmem>> -> memref<1x128xi32, #tpu.memory_space<vmem>>
    %dma_start3A_131 = tpu.memref_squeeze %dma_start3A_130 : memref<1x128xi32, #tpu.memory_space<vmem>> -> memref<128xi32, #tpu.memory_space<vmem>>
    %dma_start3A_132 = arith.constant 0 : i32
    %dma_start3A_133 = tpu.memref_slice %arg10[%dma_start3A_132] : memref<524544xf32, #tpu.memory_space<vmem_shared>> -> memref<524544xf32, #tpu.memory_space<vmem_shared>>
    tpu.enqueue_indirect_dma source(%dma_start3A_128 : memref<128xf32, #tpu.memory_space<vmem>>) target(%dma_start3A_133 : memref<524544xf32, #tpu.memory_space<vmem_shared>>) offsets(%dma_start3A_131 : memref<128xi32, #tpu.memory_space<vmem>>) semaphore(%arg11 : memref<!tpu.dma_semaphore, #tpu.memory_space<semaphore_mem>>) {add = true}
    %dma_start3A_134 = arith.constant 6 : i32
    %dma_start3A_135 = arith.constant 6 : i32
    %dma_start3A_136 = arith.constant 0 : i32
    %dma_start3A_137 = tpu.memref_slice %arg7[%dma_start3A_134, %dma_start3A_136] : memref<16x128xf32, #tpu.memory_space<vmem>> -> memref<1x128xf32, #tpu.memory_space<vmem>>
    %dma_start3A_138 = tpu.memref_squeeze %dma_start3A_137 : memref<1x128xf32, #tpu.memory_space<vmem>> -> memref<128xf32, #tpu.memory_space<vmem>>
    %dma_start3A_139 = arith.constant 0 : i32
    %dma_start3A_140 = tpu.memref_slice %arg8[%dma_start3A_135, %dma_start3A_139] : memref<16x128xi32, #tpu.memory_space<vmem>> -> memref<1x128xi32, #tpu.memory_space<vmem>>
    %dma_start3A_141 = tpu.memref_squeeze %dma_start3A_140 : memref<1x128xi32, #tpu.memory_space<vmem>> -> memref<128xi32, #tpu.memory_space<vmem>>
    %dma_start3A_142 = arith.constant 0 : i32
    %dma_start3A_143 = tpu.memref_slice %arg10[%dma_start3A_142] : memref<524544xf32, #tpu.memory_space<vmem_shared>> -> memref<524544xf32, #tpu.memory_space<vmem_shared>>
    tpu.enqueue_indirect_dma source(%dma_start3A_138 : memref<128xf32, #tpu.memory_space<vmem>>) target(%dma_start3A_143 : memref<524544xf32, #tpu.memory_space<vmem_shared>>) offsets(%dma_start3A_141 : memref<128xi32, #tpu.memory_space<vmem>>) semaphore(%arg11 : memref<!tpu.dma_semaphore, #tpu.memory_space<semaphore_mem>>) {add = true}
    %dma_start3A_144 = arith.constant 7 : i32
    %dma_start3A_145 = arith.constant 7 : i32
    %dma_start3A_146 = arith.constant 0 : i32
    %dma_start3A_147 = tpu.memref_slice %arg7[%dma_start3A_144, %dma_start3A_146] : memref<16x128xf32, #tpu.memory_space<vmem>> -> memref<1x128xf32, #tpu.memory_space<vmem>>
    %dma_start3A_148 = tpu.memref_squeeze %dma_start3A_147 : memref<1x128xf32, #tpu.memory_space<vmem>> -> memref<128xf32, #tpu.memory_space<vmem>>
    %dma_start3A_149 = arith.constant 0 : i32
    %dma_start3A_150 = tpu.memref_slice %arg8[%dma_start3A_145, %dma_start3A_149] : memref<16x128xi32, #tpu.memory_space<vmem>> -> memref<1x128xi32, #tpu.memory_space<vmem>>
    %dma_start3A_151 = tpu.memref_squeeze %dma_start3A_150 : memref<1x128xi32, #tpu.memory_space<vmem>> -> memref<128xi32, #tpu.memory_space<vmem>>
    %dma_start3A_152 = arith.constant 0 : i32
    %dma_start3A_153 = tpu.memref_slice %arg10[%dma_start3A_152] : memref<524544xf32, #tpu.memory_space<vmem_shared>> -> memref<524544xf32, #tpu.memory_space<vmem_shared>>
    tpu.enqueue_indirect_dma source(%dma_start3A_148 : memref<128xf32, #tpu.memory_space<vmem>>) target(%dma_start3A_153 : memref<524544xf32, #tpu.memory_space<vmem_shared>>) offsets(%dma_start3A_151 : memref<128xi32, #tpu.memory_space<vmem>>) semaphore(%arg11 : memref<!tpu.dma_semaphore, #tpu.memory_space<semaphore_mem>>) {add = true}
    %dma_start3A_154 = arith.constant 8 : i32
    %dma_start3A_155 = arith.constant 8 : i32
    %dma_start3A_156 = arith.constant 0 : i32
    %dma_start3A_157 = tpu.memref_slice %arg7[%dma_start3A_154, %dma_start3A_156] : memref<16x128xf32, #tpu.memory_space<vmem>> -> memref<1x128xf32, #tpu.memory_space<vmem>>
    %dma_start3A_158 = tpu.memref_squeeze %dma_start3A_157 : memref<1x128xf32, #tpu.memory_space<vmem>> -> memref<128xf32, #tpu.memory_space<vmem>>
    %dma_start3A_159 = arith.constant 0 : i32
    %dma_start3A_160 = tpu.memref_slice %arg8[%dma_start3A_155, %dma_start3A_159] : memref<16x128xi32, #tpu.memory_space<vmem>> -> memref<1x128xi32, #tpu.memory_space<vmem>>
    %dma_start3A_161 = tpu.memref_squeeze %dma_start3A_160 : memref<1x128xi32, #tpu.memory_space<vmem>> -> memref<128xi32, #tpu.memory_space<vmem>>
    %dma_start3A_162 = arith.constant 0 : i32
    %dma_start3A_163 = tpu.memref_slice %arg10[%dma_start3A_162] : memref<524544xf32, #tpu.memory_space<vmem_shared>> -> memref<524544xf32, #tpu.memory_space<vmem_shared>>
    tpu.enqueue_indirect_dma source(%dma_start3A_158 : memref<128xf32, #tpu.memory_space<vmem>>) target(%dma_start3A_163 : memref<524544xf32, #tpu.memory_space<vmem_shared>>) offsets(%dma_start3A_161 : memref<128xi32, #tpu.memory_space<vmem>>) semaphore(%arg11 : memref<!tpu.dma_semaphore, #tpu.memory_space<semaphore_mem>>) {add = true}
    %dma_start3A_164 = arith.constant 9 : i32
    %dma_start3A_165 = arith.constant 9 : i32
    %dma_start3A_166 = arith.constant 0 : i32
    %dma_start3A_167 = tpu.memref_slice %arg7[%dma_start3A_164, %dma_start3A_166] : memref<16x128xf32, #tpu.memory_space<vmem>> -> memref<1x128xf32, #tpu.memory_space<vmem>>
    %dma_start3A_168 = tpu.memref_squeeze %dma_start3A_167 : memref<1x128xf32, #tpu.memory_space<vmem>> -> memref<128xf32, #tpu.memory_space<vmem>>
    %dma_start3A_169 = arith.constant 0 : i32
    %dma_start3A_170 = tpu.memref_slice %arg8[%dma_start3A_165, %dma_start3A_169] : memref<16x128xi32, #tpu.memory_space<vmem>> -> memref<1x128xi32, #tpu.memory_space<vmem>>
    %dma_start3A_171 = tpu.memref_squeeze %dma_start3A_170 : memref<1x128xi32, #tpu.memory_space<vmem>> -> memref<128xi32, #tpu.memory_space<vmem>>
    %dma_start3A_172 = arith.constant 0 : i32
    %dma_start3A_173 = tpu.memref_slice %arg10[%dma_start3A_172] : memref<524544xf32, #tpu.memory_space<vmem_shared>> -> memref<524544xf32, #tpu.memory_space<vmem_shared>>
    tpu.enqueue_indirect_dma source(%dma_start3A_168 : memref<128xf32, #tpu.memory_space<vmem>>) target(%dma_start3A_173 : memref<524544xf32, #tpu.memory_space<vmem_shared>>) offsets(%dma_start3A_171 : memref<128xi32, #tpu.memory_space<vmem>>) semaphore(%arg11 : memref<!tpu.dma_semaphore, #tpu.memory_space<semaphore_mem>>) {add = true}
    %dma_start3A_174 = arith.constant 10 : i32
    %dma_start3A_175 = arith.constant 10 : i32
    %dma_start3A_176 = arith.constant 0 : i32
    %dma_start3A_177 = tpu.memref_slice %arg7[%dma_start3A_174, %dma_start3A_176] : memref<16x128xf32, #tpu.memory_space<vmem>> -> memref<1x128xf32, #tpu.memory_space<vmem>>
    %dma_start3A_178 = tpu.memref_squeeze %dma_start3A_177 : memref<1x128xf32, #tpu.memory_space<vmem>> -> memref<128xf32, #tpu.memory_space<vmem>>
    %dma_start3A_179 = arith.constant 0 : i32
    %dma_start3A_180 = tpu.memref_slice %arg8[%dma_start3A_175, %dma_start3A_179] : memref<16x128xi32, #tpu.memory_space<vmem>> -> memref<1x128xi32, #tpu.memory_space<vmem>>
    %dma_start3A_181 = tpu.memref_squeeze %dma_start3A_180 : memref<1x128xi32, #tpu.memory_space<vmem>> -> memref<128xi32, #tpu.memory_space<vmem>>
    %dma_start3A_182 = arith.constant 0 : i32
    %dma_start3A_183 = tpu.memref_slice %arg10[%dma_start3A_182] : memref<524544xf32, #tpu.memory_space<vmem_shared>> -> memref<524544xf32, #tpu.memory_space<vmem_shared>>
    tpu.enqueue_indirect_dma source(%dma_start3A_178 : memref<128xf32, #tpu.memory_space<vmem>>) target(%dma_start3A_183 : memref<524544xf32, #tpu.memory_space<vmem_shared>>) offsets(%dma_start3A_181 : memref<128xi32, #tpu.memory_space<vmem>>) semaphore(%arg11 : memref<!tpu.dma_semaphore, #tpu.memory_space<semaphore_mem>>) {add = true}
    %dma_start3A_184 = arith.constant 11 : i32
    %dma_start3A_185 = arith.constant 11 : i32
    %dma_start3A_186 = arith.constant 0 : i32
    %dma_start3A_187 = tpu.memref_slice %arg7[%dma_start3A_184, %dma_start3A_186] : memref<16x128xf32, #tpu.memory_space<vmem>> -> memref<1x128xf32, #tpu.memory_space<vmem>>
    %dma_start3A_188 = tpu.memref_squeeze %dma_start3A_187 : memref<1x128xf32, #tpu.memory_space<vmem>> -> memref<128xf32, #tpu.memory_space<vmem>>
    %dma_start3A_189 = arith.constant 0 : i32
    %dma_start3A_190 = tpu.memref_slice %arg8[%dma_start3A_185, %dma_start3A_189] : memref<16x128xi32, #tpu.memory_space<vmem>> -> memref<1x128xi32, #tpu.memory_space<vmem>>
    %dma_start3A_191 = tpu.memref_squeeze %dma_start3A_190 : memref<1x128xi32, #tpu.memory_space<vmem>> -> memref<128xi32, #tpu.memory_space<vmem>>
    %dma_start3A_192 = arith.constant 0 : i32
    %dma_start3A_193 = tpu.memref_slice %arg10[%dma_start3A_192] : memref<524544xf32, #tpu.memory_space<vmem_shared>> -> memref<524544xf32, #tpu.memory_space<vmem_shared>>
    tpu.enqueue_indirect_dma source(%dma_start3A_188 : memref<128xf32, #tpu.memory_space<vmem>>) target(%dma_start3A_193 : memref<524544xf32, #tpu.memory_space<vmem_shared>>) offsets(%dma_start3A_191 : memref<128xi32, #tpu.memory_space<vmem>>) semaphore(%arg11 : memref<!tpu.dma_semaphore, #tpu.memory_space<semaphore_mem>>) {add = true}
    %dma_start3A_194 = arith.constant 12 : i32
    %dma_start3A_195 = arith.constant 12 : i32
    %dma_start3A_196 = arith.constant 0 : i32
    %dma_start3A_197 = tpu.memref_slice %arg7[%dma_start3A_194, %dma_start3A_196] : memref<16x128xf32, #tpu.memory_space<vmem>> -> memref<1x128xf32, #tpu.memory_space<vmem>>
    %dma_start3A_198 = tpu.memref_squeeze %dma_start3A_197 : memref<1x128xf32, #tpu.memory_space<vmem>> -> memref<128xf32, #tpu.memory_space<vmem>>
    %dma_start3A_199 = arith.constant 0 : i32
    %dma_start3A_200 = tpu.memref_slice %arg8[%dma_start3A_195, %dma_start3A_199] : memref<16x128xi32, #tpu.memory_space<vmem>> -> memref<1x128xi32, #tpu.memory_space<vmem>>
    %dma_start3A_201 = tpu.memref_squeeze %dma_start3A_200 : memref<1x128xi32, #tpu.memory_space<vmem>> -> memref<128xi32, #tpu.memory_space<vmem>>
    %dma_start3A_202 = arith.constant 0 : i32
    %dma_start3A_203 = tpu.memref_slice %arg10[%dma_start3A_202] : memref<524544xf32, #tpu.memory_space<vmem_shared>> -> memref<524544xf32, #tpu.memory_space<vmem_shared>>
    tpu.enqueue_indirect_dma source(%dma_start3A_198 : memref<128xf32, #tpu.memory_space<vmem>>) target(%dma_start3A_203 : memref<524544xf32, #tpu.memory_space<vmem_shared>>) offsets(%dma_start3A_201 : memref<128xi32, #tpu.memory_space<vmem>>) semaphore(%arg11 : memref<!tpu.dma_semaphore, #tpu.memory_space<semaphore_mem>>) {add = true}
    %dma_start3A_204 = arith.constant 13 : i32
    %dma_start3A_205 = arith.constant 13 : i32
    %dma_start3A_206 = arith.constant 0 : i32
    %dma_start3A_207 = tpu.memref_slice %arg7[%dma_start3A_204, %dma_start3A_206] : memref<16x128xf32, #tpu.memory_space<vmem>> -> memref<1x128xf32, #tpu.memory_space<vmem>>
    %dma_start3A_208 = tpu.memref_squeeze %dma_start3A_207 : memref<1x128xf32, #tpu.memory_space<vmem>> -> memref<128xf32, #tpu.memory_space<vmem>>
    %dma_start3A_209 = arith.constant 0 : i32
    %dma_start3A_210 = tpu.memref_slice %arg8[%dma_start3A_205, %dma_start3A_209] : memref<16x128xi32, #tpu.memory_space<vmem>> -> memref<1x128xi32, #tpu.memory_space<vmem>>
    %dma_start3A_211 = tpu.memref_squeeze %dma_start3A_210 : memref<1x128xi32, #tpu.memory_space<vmem>> -> memref<128xi32, #tpu.memory_space<vmem>>
    %dma_start3A_212 = arith.constant 0 : i32
    %dma_start3A_213 = tpu.memref_slice %arg10[%dma_start3A_212] : memref<524544xf32, #tpu.memory_space<vmem_shared>> -> memref<524544xf32, #tpu.memory_space<vmem_shared>>
    tpu.enqueue_indirect_dma source(%dma_start3A_208 : memref<128xf32, #tpu.memory_space<vmem>>) target(%dma_start3A_213 : memref<524544xf32, #tpu.memory_space<vmem_shared>>) offsets(%dma_start3A_211 : memref<128xi32, #tpu.memory_space<vmem>>) semaphore(%arg11 : memref<!tpu.dma_semaphore, #tpu.memory_space<semaphore_mem>>) {add = true}
    %dma_start3A_214 = arith.constant 14 : i32
    %dma_start3A_215 = arith.constant 14 : i32
    %dma_start3A_216 = arith.constant 0 : i32
    %dma_start3A_217 = tpu.memref_slice %arg7[%dma_start3A_214, %dma_start3A_216] : memref<16x128xf32, #tpu.memory_space<vmem>> -> memref<1x128xf32, #tpu.memory_space<vmem>>
    %dma_start3A_218 = tpu.memref_squeeze %dma_start3A_217 : memref<1x128xf32, #tpu.memory_space<vmem>> -> memref<128xf32, #tpu.memory_space<vmem>>
    %dma_start3A_219 = arith.constant 0 : i32
    %dma_start3A_220 = tpu.memref_slice %arg8[%dma_start3A_215, %dma_start3A_219] : memref<16x128xi32, #tpu.memory_space<vmem>> -> memref<1x128xi32, #tpu.memory_space<vmem>>
    %dma_start3A_221 = tpu.memref_squeeze %dma_start3A_220 : memref<1x128xi32, #tpu.memory_space<vmem>> -> memref<128xi32, #tpu.memory_space<vmem>>
    %dma_start3A_222 = arith.constant 0 : i32
    %dma_start3A_223 = tpu.memref_slice %arg10[%dma_start3A_222] : memref<524544xf32, #tpu.memory_space<vmem_shared>> -> memref<524544xf32, #tpu.memory_space<vmem_shared>>
    tpu.enqueue_indirect_dma source(%dma_start3A_218 : memref<128xf32, #tpu.memory_space<vmem>>) target(%dma_start3A_223 : memref<524544xf32, #tpu.memory_space<vmem_shared>>) offsets(%dma_start3A_221 : memref<128xi32, #tpu.memory_space<vmem>>) semaphore(%arg11 : memref<!tpu.dma_semaphore, #tpu.memory_space<semaphore_mem>>) {add = true}
    %dma_start3A_224 = arith.constant 15 : i32
    %dma_start3A_225 = arith.constant 15 : i32
    %dma_start3A_226 = arith.constant 0 : i32
    %dma_start3A_227 = tpu.memref_slice %arg7[%dma_start3A_224, %dma_start3A_226] : memref<16x128xf32, #tpu.memory_space<vmem>> -> memref<1x128xf32, #tpu.memory_space<vmem>>
    %dma_start3A_228 = tpu.memref_squeeze %dma_start3A_227 : memref<1x128xf32, #tpu.memory_space<vmem>> -> memref<128xf32, #tpu.memory_space<vmem>>
    %dma_start3A_229 = arith.constant 0 : i32
    %dma_start3A_230 = tpu.memref_slice %arg8[%dma_start3A_225, %dma_start3A_229] : memref<16x128xi32, #tpu.memory_space<vmem>> -> memref<1x128xi32, #tpu.memory_space<vmem>>
    %dma_start3A_231 = tpu.memref_squeeze %dma_start3A_230 : memref<1x128xi32, #tpu.memory_space<vmem>> -> memref<128xi32, #tpu.memory_space<vmem>>
    %dma_start3A_232 = arith.constant 0 : i32
    %dma_start3A_233 = tpu.memref_slice %arg10[%dma_start3A_232] : memref<524544xf32, #tpu.memory_space<vmem_shared>> -> memref<524544xf32, #tpu.memory_space<vmem_shared>>
    tpu.enqueue_indirect_dma source(%dma_start3A_228 : memref<128xf32, #tpu.memory_space<vmem>>) target(%dma_start3A_233 : memref<524544xf32, #tpu.memory_space<vmem_shared>>) offsets(%dma_start3A_231 : memref<128xi32, #tpu.memory_space<vmem>>) semaphore(%arg11 : memref<!tpu.dma_semaphore, #tpu.memory_space<semaphore_mem>>) {add = true}
    %dma_wait3A_234 = arith.constant 0 : i32
    %dma_wait3A_235 = arith.constant 0 : i32
    %dma_wait3A_236 = arith.constant 0 : i32
    %dma_wait3A_237 = tpu.memref_slice %arg7[%dma_wait3A_234, %dma_wait3A_236] : memref<16x128xf32, #tpu.memory_space<vmem>> -> memref<1x128xf32, #tpu.memory_space<vmem>>
    %dma_wait3A_238 = tpu.memref_squeeze %dma_wait3A_237 : memref<1x128xf32, #tpu.memory_space<vmem>> -> memref<128xf32, #tpu.memory_space<vmem>>
    %dma_wait3A_239 = arith.constant 0 : i32
    %dma_wait3A_240 = tpu.memref_slice %arg8[%dma_wait3A_235, %dma_wait3A_239] : memref<16x128xi32, #tpu.memory_space<vmem>> -> memref<1x128xi32, #tpu.memory_space<vmem>>
    %dma_wait3A_241 = tpu.memref_squeeze %dma_wait3A_240 : memref<1x128xi32, #tpu.memory_space<vmem>> -> memref<128xi32, #tpu.memory_space<vmem>>
    %dma_wait3A_242 = arith.constant 0 : i32
    %dma_wait3A_243 = tpu.memref_slice %arg10[%dma_wait3A_242] : memref<524544xf32, #tpu.memory_space<vmem_shared>> -> memref<524544xf32, #tpu.memory_space<vmem_shared>>
    tpu.wait_indirect_dma semaphore(%arg11 : memref<!tpu.dma_semaphore, #tpu.memory_space<semaphore_mem>>) src(%dma_wait3A_238 : memref<128xf32, #tpu.memory_space<vmem>>) dst(%dma_wait3A_243 : memref<524544xf32, #tpu.memory_space<vmem_shared>>)
    %dma_wait3A_244 = arith.constant 1 : i32
    %dma_wait3A_245 = arith.constant 1 : i32
    %dma_wait3A_246 = arith.constant 0 : i32
    %dma_wait3A_247 = tpu.memref_slice %arg7[%dma_wait3A_244, %dma_wait3A_246] : memref<16x128xf32, #tpu.memory_space<vmem>> -> memref<1x128xf32, #tpu.memory_space<vmem>>
    %dma_wait3A_248 = tpu.memref_squeeze %dma_wait3A_247 : memref<1x128xf32, #tpu.memory_space<vmem>> -> memref<128xf32, #tpu.memory_space<vmem>>
    %dma_wait3A_249 = arith.constant 0 : i32
    %dma_wait3A_250 = tpu.memref_slice %arg8[%dma_wait3A_245, %dma_wait3A_249] : memref<16x128xi32, #tpu.memory_space<vmem>> -> memref<1x128xi32, #tpu.memory_space<vmem>>
    %dma_wait3A_251 = tpu.memref_squeeze %dma_wait3A_250 : memref<1x128xi32, #tpu.memory_space<vmem>> -> memref<128xi32, #tpu.memory_space<vmem>>
    %dma_wait3A_252 = arith.constant 0 : i32
    %dma_wait3A_253 = tpu.memref_slice %arg10[%dma_wait3A_252] : memref<524544xf32, #tpu.memory_space<vmem_shared>> -> memref<524544xf32, #tpu.memory_space<vmem_shared>>
    tpu.wait_indirect_dma semaphore(%arg11 : memref<!tpu.dma_semaphore, #tpu.memory_space<semaphore_mem>>) src(%dma_wait3A_248 : memref<128xf32, #tpu.memory_space<vmem>>) dst(%dma_wait3A_253 : memref<524544xf32, #tpu.memory_space<vmem_shared>>)
    %dma_wait3A_254 = arith.constant 2 : i32
    %dma_wait3A_255 = arith.constant 2 : i32
    %dma_wait3A_256 = arith.constant 0 : i32
    %dma_wait3A_257 = tpu.memref_slice %arg7[%dma_wait3A_254, %dma_wait3A_256] : memref<16x128xf32, #tpu.memory_space<vmem>> -> memref<1x128xf32, #tpu.memory_space<vmem>>
    %dma_wait3A_258 = tpu.memref_squeeze %dma_wait3A_257 : memref<1x128xf32, #tpu.memory_space<vmem>> -> memref<128xf32, #tpu.memory_space<vmem>>
    %dma_wait3A_259 = arith.constant 0 : i32
    %dma_wait3A_260 = tpu.memref_slice %arg8[%dma_wait3A_255, %dma_wait3A_259] : memref<16x128xi32, #tpu.memory_space<vmem>> -> memref<1x128xi32, #tpu.memory_space<vmem>>
    %dma_wait3A_261 = tpu.memref_squeeze %dma_wait3A_260 : memref<1x128xi32, #tpu.memory_space<vmem>> -> memref<128xi32, #tpu.memory_space<vmem>>
    %dma_wait3A_262 = arith.constant 0 : i32
    %dma_wait3A_263 = tpu.memref_slice %arg10[%dma_wait3A_262] : memref<524544xf32, #tpu.memory_space<vmem_shared>> -> memref<524544xf32, #tpu.memory_space<vmem_shared>>
    tpu.wait_indirect_dma semaphore(%arg11 : memref<!tpu.dma_semaphore, #tpu.memory_space<semaphore_mem>>) src(%dma_wait3A_258 : memref<128xf32, #tpu.memory_space<vmem>>) dst(%dma_wait3A_263 : memref<524544xf32, #tpu.memory_space<vmem_shared>>)
    %dma_wait3A_264 = arith.constant 3 : i32
    %dma_wait3A_265 = arith.constant 3 : i32
    %dma_wait3A_266 = arith.constant 0 : i32
    %dma_wait3A_267 = tpu.memref_slice %arg7[%dma_wait3A_264, %dma_wait3A_266] : memref<16x128xf32, #tpu.memory_space<vmem>> -> memref<1x128xf32, #tpu.memory_space<vmem>>
    %dma_wait3A_268 = tpu.memref_squeeze %dma_wait3A_267 : memref<1x128xf32, #tpu.memory_space<vmem>> -> memref<128xf32, #tpu.memory_space<vmem>>
    %dma_wait3A_269 = arith.constant 0 : i32
    %dma_wait3A_270 = tpu.memref_slice %arg8[%dma_wait3A_265, %dma_wait3A_269] : memref<16x128xi32, #tpu.memory_space<vmem>> -> memref<1x128xi32, #tpu.memory_space<vmem>>
    %dma_wait3A_271 = tpu.memref_squeeze %dma_wait3A_270 : memref<1x128xi32, #tpu.memory_space<vmem>> -> memref<128xi32, #tpu.memory_space<vmem>>
    %dma_wait3A_272 = arith.constant 0 : i32
    %dma_wait3A_273 = tpu.memref_slice %arg10[%dma_wait3A_272] : memref<524544xf32, #tpu.memory_space<vmem_shared>> -> memref<524544xf32, #tpu.memory_space<vmem_shared>>
    tpu.wait_indirect_dma semaphore(%arg11 : memref<!tpu.dma_semaphore, #tpu.memory_space<semaphore_mem>>) src(%dma_wait3A_268 : memref<128xf32, #tpu.memory_space<vmem>>) dst(%dma_wait3A_273 : memref<524544xf32, #tpu.memory_space<vmem_shared>>)
    %dma_wait3A_274 = arith.constant 4 : i32
    %dma_wait3A_275 = arith.constant 4 : i32
    %dma_wait3A_276 = arith.constant 0 : i32
    %dma_wait3A_277 = tpu.memref_slice %arg7[%dma_wait3A_274, %dma_wait3A_276] : memref<16x128xf32, #tpu.memory_space<vmem>> -> memref<1x128xf32, #tpu.memory_space<vmem>>
    %dma_wait3A_278 = tpu.memref_squeeze %dma_wait3A_277 : memref<1x128xf32, #tpu.memory_space<vmem>> -> memref<128xf32, #tpu.memory_space<vmem>>
    %dma_wait3A_279 = arith.constant 0 : i32
    %dma_wait3A_280 = tpu.memref_slice %arg8[%dma_wait3A_275, %dma_wait3A_279] : memref<16x128xi32, #tpu.memory_space<vmem>> -> memref<1x128xi32, #tpu.memory_space<vmem>>
    %dma_wait3A_281 = tpu.memref_squeeze %dma_wait3A_280 : memref<1x128xi32, #tpu.memory_space<vmem>> -> memref<128xi32, #tpu.memory_space<vmem>>
    %dma_wait3A_282 = arith.constant 0 : i32
    %dma_wait3A_283 = tpu.memref_slice %arg10[%dma_wait3A_282] : memref<524544xf32, #tpu.memory_space<vmem_shared>> -> memref<524544xf32, #tpu.memory_space<vmem_shared>>
    tpu.wait_indirect_dma semaphore(%arg11 : memref<!tpu.dma_semaphore, #tpu.memory_space<semaphore_mem>>) src(%dma_wait3A_278 : memref<128xf32, #tpu.memory_space<vmem>>) dst(%dma_wait3A_283 : memref<524544xf32, #tpu.memory_space<vmem_shared>>)
    %dma_wait3A_284 = arith.constant 5 : i32
    %dma_wait3A_285 = arith.constant 5 : i32
    %dma_wait3A_286 = arith.constant 0 : i32
    %dma_wait3A_287 = tpu.memref_slice %arg7[%dma_wait3A_284, %dma_wait3A_286] : memref<16x128xf32, #tpu.memory_space<vmem>> -> memref<1x128xf32, #tpu.memory_space<vmem>>
    %dma_wait3A_288 = tpu.memref_squeeze %dma_wait3A_287 : memref<1x128xf32, #tpu.memory_space<vmem>> -> memref<128xf32, #tpu.memory_space<vmem>>
    %dma_wait3A_289 = arith.constant 0 : i32
    %dma_wait3A_290 = tpu.memref_slice %arg8[%dma_wait3A_285, %dma_wait3A_289] : memref<16x128xi32, #tpu.memory_space<vmem>> -> memref<1x128xi32, #tpu.memory_space<vmem>>
    %dma_wait3A_291 = tpu.memref_squeeze %dma_wait3A_290 : memref<1x128xi32, #tpu.memory_space<vmem>> -> memref<128xi32, #tpu.memory_space<vmem>>
    %dma_wait3A_292 = arith.constant 0 : i32
    %dma_wait3A_293 = tpu.memref_slice %arg10[%dma_wait3A_292] : memref<524544xf32, #tpu.memory_space<vmem_shared>> -> memref<524544xf32, #tpu.memory_space<vmem_shared>>
    tpu.wait_indirect_dma semaphore(%arg11 : memref<!tpu.dma_semaphore, #tpu.memory_space<semaphore_mem>>) src(%dma_wait3A_288 : memref<128xf32, #tpu.memory_space<vmem>>) dst(%dma_wait3A_293 : memref<524544xf32, #tpu.memory_space<vmem_shared>>)
    %dma_wait3A_294 = arith.constant 6 : i32
    %dma_wait3A_295 = arith.constant 6 : i32
    %dma_wait3A_296 = arith.constant 0 : i32
    %dma_wait3A_297 = tpu.memref_slice %arg7[%dma_wait3A_294, %dma_wait3A_296] : memref<16x128xf32, #tpu.memory_space<vmem>> -> memref<1x128xf32, #tpu.memory_space<vmem>>
    %dma_wait3A_298 = tpu.memref_squeeze %dma_wait3A_297 : memref<1x128xf32, #tpu.memory_space<vmem>> -> memref<128xf32, #tpu.memory_space<vmem>>
    %dma_wait3A_299 = arith.constant 0 : i32
    %dma_wait3A_300 = tpu.memref_slice %arg8[%dma_wait3A_295, %dma_wait3A_299] : memref<16x128xi32, #tpu.memory_space<vmem>> -> memref<1x128xi32, #tpu.memory_space<vmem>>
    %dma_wait3A_301 = tpu.memref_squeeze %dma_wait3A_300 : memref<1x128xi32, #tpu.memory_space<vmem>> -> memref<128xi32, #tpu.memory_space<vmem>>
    %dma_wait3A_302 = arith.constant 0 : i32
    %dma_wait3A_303 = tpu.memref_slice %arg10[%dma_wait3A_302] : memref<524544xf32, #tpu.memory_space<vmem_shared>> -> memref<524544xf32, #tpu.memory_space<vmem_shared>>
    tpu.wait_indirect_dma semaphore(%arg11 : memref<!tpu.dma_semaphore, #tpu.memory_space<semaphore_mem>>) src(%dma_wait3A_298 : memref<128xf32, #tpu.memory_space<vmem>>) dst(%dma_wait3A_303 : memref<524544xf32, #tpu.memory_space<vmem_shared>>)
    %dma_wait3A_304 = arith.constant 7 : i32
    %dma_wait3A_305 = arith.constant 7 : i32
    %dma_wait3A_306 = arith.constant 0 : i32
    %dma_wait3A_307 = tpu.memref_slice %arg7[%dma_wait3A_304, %dma_wait3A_306] : memref<16x128xf32, #tpu.memory_space<vmem>> -> memref<1x128xf32, #tpu.memory_space<vmem>>
    %dma_wait3A_308 = tpu.memref_squeeze %dma_wait3A_307 : memref<1x128xf32, #tpu.memory_space<vmem>> -> memref<128xf32, #tpu.memory_space<vmem>>
    %dma_wait3A_309 = arith.constant 0 : i32
    %dma_wait3A_310 = tpu.memref_slice %arg8[%dma_wait3A_305, %dma_wait3A_309] : memref<16x128xi32, #tpu.memory_space<vmem>> -> memref<1x128xi32, #tpu.memory_space<vmem>>
    %dma_wait3A_311 = tpu.memref_squeeze %dma_wait3A_310 : memref<1x128xi32, #tpu.memory_space<vmem>> -> memref<128xi32, #tpu.memory_space<vmem>>
    %dma_wait3A_312 = arith.constant 0 : i32
    %dma_wait3A_313 = tpu.memref_slice %arg10[%dma_wait3A_312] : memref<524544xf32, #tpu.memory_space<vmem_shared>> -> memref<524544xf32, #tpu.memory_space<vmem_shared>>
    tpu.wait_indirect_dma semaphore(%arg11 : memref<!tpu.dma_semaphore, #tpu.memory_space<semaphore_mem>>) src(%dma_wait3A_308 : memref<128xf32, #tpu.memory_space<vmem>>) dst(%dma_wait3A_313 : memref<524544xf32, #tpu.memory_space<vmem_shared>>)
    %dma_wait3A_314 = arith.constant 8 : i32
    %dma_wait3A_315 = arith.constant 8 : i32
    %dma_wait3A_316 = arith.constant 0 : i32
    %dma_wait3A_317 = tpu.memref_slice %arg7[%dma_wait3A_314, %dma_wait3A_316] : memref<16x128xf32, #tpu.memory_space<vmem>> -> memref<1x128xf32, #tpu.memory_space<vmem>>
    %dma_wait3A_318 = tpu.memref_squeeze %dma_wait3A_317 : memref<1x128xf32, #tpu.memory_space<vmem>> -> memref<128xf32, #tpu.memory_space<vmem>>
    %dma_wait3A_319 = arith.constant 0 : i32
    %dma_wait3A_320 = tpu.memref_slice %arg8[%dma_wait3A_315, %dma_wait3A_319] : memref<16x128xi32, #tpu.memory_space<vmem>> -> memref<1x128xi32, #tpu.memory_space<vmem>>
    %dma_wait3A_321 = tpu.memref_squeeze %dma_wait3A_320 : memref<1x128xi32, #tpu.memory_space<vmem>> -> memref<128xi32, #tpu.memory_space<vmem>>
    %dma_wait3A_322 = arith.constant 0 : i32
    %dma_wait3A_323 = tpu.memref_slice %arg10[%dma_wait3A_322] : memref<524544xf32, #tpu.memory_space<vmem_shared>> -> memref<524544xf32, #tpu.memory_space<vmem_shared>>
    tpu.wait_indirect_dma semaphore(%arg11 : memref<!tpu.dma_semaphore, #tpu.memory_space<semaphore_mem>>) src(%dma_wait3A_318 : memref<128xf32, #tpu.memory_space<vmem>>) dst(%dma_wait3A_323 : memref<524544xf32, #tpu.memory_space<vmem_shared>>)
    %dma_wait3A_324 = arith.constant 9 : i32
    %dma_wait3A_325 = arith.constant 9 : i32
    %dma_wait3A_326 = arith.constant 0 : i32
    %dma_wait3A_327 = tpu.memref_slice %arg7[%dma_wait3A_324, %dma_wait3A_326] : memref<16x128xf32, #tpu.memory_space<vmem>> -> memref<1x128xf32, #tpu.memory_space<vmem>>
    %dma_wait3A_328 = tpu.memref_squeeze %dma_wait3A_327 : memref<1x128xf32, #tpu.memory_space<vmem>> -> memref<128xf32, #tpu.memory_space<vmem>>
    %dma_wait3A_329 = arith.constant 0 : i32
    %dma_wait3A_330 = tpu.memref_slice %arg8[%dma_wait3A_325, %dma_wait3A_329] : memref<16x128xi32, #tpu.memory_space<vmem>> -> memref<1x128xi32, #tpu.memory_space<vmem>>
    %dma_wait3A_331 = tpu.memref_squeeze %dma_wait3A_330 : memref<1x128xi32, #tpu.memory_space<vmem>> -> memref<128xi32, #tpu.memory_space<vmem>>
    %dma_wait3A_332 = arith.constant 0 : i32
    %dma_wait3A_333 = tpu.memref_slice %arg10[%dma_wait3A_332] : memref<524544xf32, #tpu.memory_space<vmem_shared>> -> memref<524544xf32, #tpu.memory_space<vmem_shared>>
    tpu.wait_indirect_dma semaphore(%arg11 : memref<!tpu.dma_semaphore, #tpu.memory_space<semaphore_mem>>) src(%dma_wait3A_328 : memref<128xf32, #tpu.memory_space<vmem>>) dst(%dma_wait3A_333 : memref<524544xf32, #tpu.memory_space<vmem_shared>>)
    %dma_wait3A_334 = arith.constant 10 : i32
    %dma_wait3A_335 = arith.constant 10 : i32
    %dma_wait3A_336 = arith.constant 0 : i32
    %dma_wait3A_337 = tpu.memref_slice %arg7[%dma_wait3A_334, %dma_wait3A_336] : memref<16x128xf32, #tpu.memory_space<vmem>> -> memref<1x128xf32, #tpu.memory_space<vmem>>
    %dma_wait3A_338 = tpu.memref_squeeze %dma_wait3A_337 : memref<1x128xf32, #tpu.memory_space<vmem>> -> memref<128xf32, #tpu.memory_space<vmem>>
    %dma_wait3A_339 = arith.constant 0 : i32
    %dma_wait3A_340 = tpu.memref_slice %arg8[%dma_wait3A_335, %dma_wait3A_339] : memref<16x128xi32, #tpu.memory_space<vmem>> -> memref<1x128xi32, #tpu.memory_space<vmem>>
    %dma_wait3A_341 = tpu.memref_squeeze %dma_wait3A_340 : memref<1x128xi32, #tpu.memory_space<vmem>> -> memref<128xi32, #tpu.memory_space<vmem>>
    %dma_wait3A_342 = arith.constant 0 : i32
    %dma_wait3A_343 = tpu.memref_slice %arg10[%dma_wait3A_342] : memref<524544xf32, #tpu.memory_space<vmem_shared>> -> memref<524544xf32, #tpu.memory_space<vmem_shared>>
    tpu.wait_indirect_dma semaphore(%arg11 : memref<!tpu.dma_semaphore, #tpu.memory_space<semaphore_mem>>) src(%dma_wait3A_338 : memref<128xf32, #tpu.memory_space<vmem>>) dst(%dma_wait3A_343 : memref<524544xf32, #tpu.memory_space<vmem_shared>>)
    %dma_wait3A_344 = arith.constant 11 : i32
    %dma_wait3A_345 = arith.constant 11 : i32
    %dma_wait3A_346 = arith.constant 0 : i32
    %dma_wait3A_347 = tpu.memref_slice %arg7[%dma_wait3A_344, %dma_wait3A_346] : memref<16x128xf32, #tpu.memory_space<vmem>> -> memref<1x128xf32, #tpu.memory_space<vmem>>
    %dma_wait3A_348 = tpu.memref_squeeze %dma_wait3A_347 : memref<1x128xf32, #tpu.memory_space<vmem>> -> memref<128xf32, #tpu.memory_space<vmem>>
    %dma_wait3A_349 = arith.constant 0 : i32
    %dma_wait3A_350 = tpu.memref_slice %arg8[%dma_wait3A_345, %dma_wait3A_349] : memref<16x128xi32, #tpu.memory_space<vmem>> -> memref<1x128xi32, #tpu.memory_space<vmem>>
    %dma_wait3A_351 = tpu.memref_squeeze %dma_wait3A_350 : memref<1x128xi32, #tpu.memory_space<vmem>> -> memref<128xi32, #tpu.memory_space<vmem>>
    %dma_wait3A_352 = arith.constant 0 : i32
    %dma_wait3A_353 = tpu.memref_slice %arg10[%dma_wait3A_352] : memref<524544xf32, #tpu.memory_space<vmem_shared>> -> memref<524544xf32, #tpu.memory_space<vmem_shared>>
    tpu.wait_indirect_dma semaphore(%arg11 : memref<!tpu.dma_semaphore, #tpu.memory_space<semaphore_mem>>) src(%dma_wait3A_348 : memref<128xf32, #tpu.memory_space<vmem>>) dst(%dma_wait3A_353 : memref<524544xf32, #tpu.memory_space<vmem_shared>>)
    %dma_wait3A_354 = arith.constant 12 : i32
    %dma_wait3A_355 = arith.constant 12 : i32
    %dma_wait3A_356 = arith.constant 0 : i32
    %dma_wait3A_357 = tpu.memref_slice %arg7[%dma_wait3A_354, %dma_wait3A_356] : memref<16x128xf32, #tpu.memory_space<vmem>> -> memref<1x128xf32, #tpu.memory_space<vmem>>
    %dma_wait3A_358 = tpu.memref_squeeze %dma_wait3A_357 : memref<1x128xf32, #tpu.memory_space<vmem>> -> memref<128xf32, #tpu.memory_space<vmem>>
    %dma_wait3A_359 = arith.constant 0 : i32
    %dma_wait3A_360 = tpu.memref_slice %arg8[%dma_wait3A_355, %dma_wait3A_359] : memref<16x128xi32, #tpu.memory_space<vmem>> -> memref<1x128xi32, #tpu.memory_space<vmem>>
    %dma_wait3A_361 = tpu.memref_squeeze %dma_wait3A_360 : memref<1x128xi32, #tpu.memory_space<vmem>> -> memref<128xi32, #tpu.memory_space<vmem>>
    %dma_wait3A_362 = arith.constant 0 : i32
    %dma_wait3A_363 = tpu.memref_slice %arg10[%dma_wait3A_362] : memref<524544xf32, #tpu.memory_space<vmem_shared>> -> memref<524544xf32, #tpu.memory_space<vmem_shared>>
    tpu.wait_indirect_dma semaphore(%arg11 : memref<!tpu.dma_semaphore, #tpu.memory_space<semaphore_mem>>) src(%dma_wait3A_358 : memref<128xf32, #tpu.memory_space<vmem>>) dst(%dma_wait3A_363 : memref<524544xf32, #tpu.memory_space<vmem_shared>>)
    %dma_wait3A_364 = arith.constant 13 : i32
    %dma_wait3A_365 = arith.constant 13 : i32
    %dma_wait3A_366 = arith.constant 0 : i32
    %dma_wait3A_367 = tpu.memref_slice %arg7[%dma_wait3A_364, %dma_wait3A_366] : memref<16x128xf32, #tpu.memory_space<vmem>> -> memref<1x128xf32, #tpu.memory_space<vmem>>
    %dma_wait3A_368 = tpu.memref_squeeze %dma_wait3A_367 : memref<1x128xf32, #tpu.memory_space<vmem>> -> memref<128xf32, #tpu.memory_space<vmem>>
    %dma_wait3A_369 = arith.constant 0 : i32
    %dma_wait3A_370 = tpu.memref_slice %arg8[%dma_wait3A_365, %dma_wait3A_369] : memref<16x128xi32, #tpu.memory_space<vmem>> -> memref<1x128xi32, #tpu.memory_space<vmem>>
    %dma_wait3A_371 = tpu.memref_squeeze %dma_wait3A_370 : memref<1x128xi32, #tpu.memory_space<vmem>> -> memref<128xi32, #tpu.memory_space<vmem>>
    %dma_wait3A_372 = arith.constant 0 : i32
    %dma_wait3A_373 = tpu.memref_slice %arg10[%dma_wait3A_372] : memref<524544xf32, #tpu.memory_space<vmem_shared>> -> memref<524544xf32, #tpu.memory_space<vmem_shared>>
    tpu.wait_indirect_dma semaphore(%arg11 : memref<!tpu.dma_semaphore, #tpu.memory_space<semaphore_mem>>) src(%dma_wait3A_368 : memref<128xf32, #tpu.memory_space<vmem>>) dst(%dma_wait3A_373 : memref<524544xf32, #tpu.memory_space<vmem_shared>>)
    %dma_wait3A_374 = arith.constant 14 : i32
    %dma_wait3A_375 = arith.constant 14 : i32
    %dma_wait3A_376 = arith.constant 0 : i32
    %dma_wait3A_377 = tpu.memref_slice %arg7[%dma_wait3A_374, %dma_wait3A_376] : memref<16x128xf32, #tpu.memory_space<vmem>> -> memref<1x128xf32, #tpu.memory_space<vmem>>
    %dma_wait3A_378 = tpu.memref_squeeze %dma_wait3A_377 : memref<1x128xf32, #tpu.memory_space<vmem>> -> memref<128xf32, #tpu.memory_space<vmem>>
    %dma_wait3A_379 = arith.constant 0 : i32
    %dma_wait3A_380 = tpu.memref_slice %arg8[%dma_wait3A_375, %dma_wait3A_379] : memref<16x128xi32, #tpu.memory_space<vmem>> -> memref<1x128xi32, #tpu.memory_space<vmem>>
    %dma_wait3A_381 = tpu.memref_squeeze %dma_wait3A_380 : memref<1x128xi32, #tpu.memory_space<vmem>> -> memref<128xi32, #tpu.memory_space<vmem>>
    %dma_wait3A_382 = arith.constant 0 : i32
    %dma_wait3A_383 = tpu.memref_slice %arg10[%dma_wait3A_382] : memref<524544xf32, #tpu.memory_space<vmem_shared>> -> memref<524544xf32, #tpu.memory_space<vmem_shared>>
    tpu.wait_indirect_dma semaphore(%arg11 : memref<!tpu.dma_semaphore, #tpu.memory_space<semaphore_mem>>) src(%dma_wait3A_378 : memref<128xf32, #tpu.memory_space<vmem>>) dst(%dma_wait3A_383 : memref<524544xf32, #tpu.memory_space<vmem_shared>>)
    %dma_wait3A_384 = arith.constant 15 : i32
    %dma_wait3A_385 = arith.constant 15 : i32
    %dma_wait3A_386 = arith.constant 0 : i32
    %dma_wait3A_387 = tpu.memref_slice %arg7[%dma_wait3A_384, %dma_wait3A_386] : memref<16x128xf32, #tpu.memory_space<vmem>> -> memref<1x128xf32, #tpu.memory_space<vmem>>
    %dma_wait3A_388 = tpu.memref_squeeze %dma_wait3A_387 : memref<1x128xf32, #tpu.memory_space<vmem>> -> memref<128xf32, #tpu.memory_space<vmem>>
    %dma_wait3A_389 = arith.constant 0 : i32
    %dma_wait3A_390 = tpu.memref_slice %arg8[%dma_wait3A_385, %dma_wait3A_389] : memref<16x128xi32, #tpu.memory_space<vmem>> -> memref<1x128xi32, #tpu.memory_space<vmem>>
    %dma_wait3A_391 = tpu.memref_squeeze %dma_wait3A_390 : memref<1x128xi32, #tpu.memory_space<vmem>> -> memref<128xi32, #tpu.memory_space<vmem>>
    %dma_wait3A_392 = arith.constant 0 : i32
    %dma_wait3A_393 = tpu.memref_slice %arg10[%dma_wait3A_392] : memref<524544xf32, #tpu.memory_space<vmem_shared>> -> memref<524544xf32, #tpu.memory_space<vmem_shared>>
    tpu.wait_indirect_dma semaphore(%arg11 : memref<!tpu.dma_semaphore, #tpu.memory_space<semaphore_mem>>) src(%dma_wait3A_388 : memref<128xf32, #tpu.memory_space<vmem>>) dst(%dma_wait3A_393 : memref<524544xf32, #tpu.memory_space<vmem_shared>>)
    %barrier3A_394 = arith.constant 0 : index
    tpu.barrier barrier_id(%barrier3A_394)
    %mul3A_395 = arith.constant 32768 : i32
    %mul3A_396 = arith.muli %arg1, %mul3A_395 : i32
    %mul3A_397 = arith.constant 524288 : i32
    %mul3A_398 = arith.muli %arg0, %mul3A_397 : i32
    %mul3A_399 = arith.constant 32768 : i32
    %mul3A_400 = arith.muli %arg1, %mul3A_399 : i32
    %add3A_401 = arith.addi %mul3A_398, %mul3A_400 : i32
    "tpu.region"() ({
      %run_scoped3A_402 = tpu.sem_alloc : memref<!tpu.dma_semaphore, #tpu.memory_space<semaphore_mem>>
      %dma_start3A_403 = tpu.memref_slice %arg4[%add3A_401] : memref<1048576xf32, #tpu.memory_space<hbm>> -> memref<32768xf32, #tpu.memory_space<hbm>>
      %dma_start3A_404 = tpu.memref_slice %arg10[%mul3A_396] : memref<524544xf32, #tpu.memory_space<vmem_shared>> -> memref<32768xf32, #tpu.memory_space<vmem_shared>>
      tpu.enqueue_dma source(%dma_start3A_404 : memref<32768xf32, #tpu.memory_space<vmem_shared>>) target(%dma_start3A_403 : memref<32768xf32, #tpu.memory_space<hbm>>) target_semaphore(%run_scoped3A_402 : memref<!tpu.dma_semaphore, #tpu.memory_space<semaphore_mem>>)
      %dma_wait3A_405 = tpu.memref_slice %arg4[%add3A_401] : memref<1048576xf32, #tpu.memory_space<hbm>> -> memref<32768xf32, #tpu.memory_space<hbm>>
      %dma_wait3A_406 = tpu.memref_slice %arg10[%mul3A_396] : memref<524544xf32, #tpu.memory_space<vmem_shared>> -> memref<32768xf32, #tpu.memory_space<vmem_shared>>
      tpu.wait_dma2 semaphore(%run_scoped3A_402 : memref<!tpu.dma_semaphore, #tpu.memory_space<semaphore_mem>>) src(%dma_wait3A_406 : memref<32768xf32, #tpu.memory_space<vmem_shared>>) dst(%dma_wait3A_405 : memref<32768xf32, #tpu.memory_space<hbm>>)
      tpu.yield
    }) : () -> ()
    return
  }
}

module attributes {stable_mosaic.version = 14 : i64} {
  func.func @_dense_body(%arg0: memref<1048576xf32, #tpu.memory_space<vmem>>, %arg1: memref<1024x128xf32, #tpu.memory_space<vmem>>, %arg2: memref<128x1xf32, #tpu.memory_space<vmem>>, %arg3: memref<1xf32, #tpu.memory_space<smem>>, %arg4: memref<1024x128xf32, #tpu.memory_space<vmem>>, %arg5: memref<1024x1024xf32, #tpu.memory_space<vmem>>, %arg6: memref<1024x1024xf32, #tpu.memory_space<vmem>>, %arg7: memref<1x512xi32, #tpu.memory_space<vmem>>) attributes {dimension_semantics = [], scalar_prefetch = 0 : i64, scratch_operands = 0 : i64, tpu.core_type = #tpu.core_type<tc>} {
    %get3A = arith.constant 0 : index
    %get3A_0 = vector.load %arg0[%get3A] : memref<1048576xf32, #tpu.memory_space<vmem>>, vector<1048576xf32>
    %reshape3A = vector.shape_cast %get3A_0 : vector<1048576xf32> to vector<1024x1024xf32>
    %get3A_1 = arith.constant 0 : index
    %get3A_2 = arith.constant 0 : index
    %get3A_3 = vector.load %arg1[%get3A_1, %get3A_2] : memref<1024x128xf32, #tpu.memory_space<vmem>>, vector<1024x128xf32>
    %get3A_4 = arith.constant 0 : index
    %get3A_5 = arith.constant 0 : index
    %get3A_6 = vector.load %arg2[%get3A_4, %get3A_5] : memref<128x1xf32, #tpu.memory_space<vmem>>, vector<128x1xf32>
    %get3A_7 = arith.constant 0 : index
    %get3A_8 = memref.load %arg3[%get3A_7] : memref<1xf32, #tpu.memory_space<smem>>
    %broadcast_in_dim3A = arith.constant 1.000000e+00 : f32
    %broadcast_in_dim3A_9 = vector.broadcast %broadcast_in_dim3A : f32 to vector<1x1xf32>
    %dot_general3A = arith.constant dense<0.000000e+00> : vector<1024x1xf32>
    %dot_general3A_10 = tpu.matmul %get3A_3, %get3A_6, %dot_general3A {dimension_numbers = #tpu.dot_dimension_numbers<[1], [0], [0], [1], [0, 0, 1, 1], [], []>, transpose_lhs_hint = false} : vector<1024x128xf32>, vector<128x1xf32>, vector<1024x1xf32> -> vector<1024x1xf32>
    %reduce_sum3A = arith.constant dense<0.000000e+00> : vector<1024xf32>
    %reduce_sum3A_11 = vector.multi_reduction <add>, %reshape3A, %reduce_sum3A [0] : vector<1024x1024xf32> to vector<1024xf32>
    %broadcast_in_dim3A_12 = vector.shape_cast %reduce_sum3A_11 : vector<1024xf32> to vector<1x1024xf32>
    %add3A = arith.constant 1.000000e+00 : f32
    %add3A_13 = vector.broadcast %add3A : f32 to vector<1x1024xf32>
    %add3A_14 = arith.addf %broadcast_in_dim3A_12, %add3A_13 : vector<1x1024xf32>
    %rsqrt3A = math.rsqrt %add3A_14 : vector<1x1024xf32>
    %dot_general3A_15 = arith.constant dense<0.000000e+00> : vector<1024x1xf32>
    %dot_general3A_16 = tpu.matmul %rsqrt3A, %broadcast_in_dim3A_9, %dot_general3A_15 {dimension_numbers = #tpu.dot_dimension_numbers<[0], [0], [1], [1], [0, 1, 1, 1], [], []>, precision = #tpu.contract_precision<fp32>, transpose_lhs_hint = false} : vector<1x1024xf32>, vector<1x1xf32>, vector<1024x1xf32> -> vector<1024x1xf32>
    %mul3A = arith.mulf %dot_general3A_16, %dot_general3A_10 : vector<1024x1xf32>
    %mul3A_17 = vector.broadcast %mul3A : vector<1024x1xf32> to vector<1024x1024xf32>
    %mul3A_18 = arith.mulf %reshape3A, %mul3A_17 : vector<1024x1024xf32>
    %reduce_sum3A_19 = arith.constant dense<0.000000e+00> : vector<1024xf32>
    %reduce_sum3A_20 = vector.multi_reduction <add>, %mul3A_18, %reduce_sum3A_19 [0] : vector<1024x1024xf32> to vector<1024xf32>
    %broadcast_in_dim3A_21 = vector.shape_cast %reduce_sum3A_20 : vector<1024xf32> to vector<1x1024xf32>
    %dot_general3A_22 = arith.constant dense<0.000000e+00> : vector<1x1024xf32>
    %dot_general3A_23 = tpu.matmul %broadcast_in_dim3A_9, %dot_general3A_10, %dot_general3A_22 {dimension_numbers = #tpu.dot_dimension_numbers<[1], [1], [0], [0], [0, 0, 1, 0], [], []>, precision = #tpu.contract_precision<fp32>, transpose_lhs_hint = false} : vector<1x1xf32>, vector<1024x1xf32>, vector<1x1024xf32> -> vector<1x1024xf32>
    %mul3A_24 = arith.mulf %rsqrt3A, %broadcast_in_dim3A_21 : vector<1x1024xf32>
    %mul3A_25 = arith.mulf %rsqrt3A, %rsqrt3A : vector<1x1024xf32>
    %mul3A_26 = arith.mulf %mul3A_25, %dot_general3A_23 : vector<1x1024xf32>
    %add3A_27 = arith.addf %mul3A_24, %mul3A_26 : vector<1x1024xf32>
    %add3A_28 = vector.broadcast %get3A_8 : f32 to vector<1x1024xf32>
    %add3A_29 = arith.addf %add3A_27, %add3A_28 : vector<1x1024xf32>
    %square3A = arith.mulf %add3A_29, %add3A_29 : vector<1x1024xf32>
    %logistic3A = arith.negf %square3A : vector<1x1024xf32>
    %logistic3A_30 = math.exp %logistic3A : vector<1x1024xf32>
    %logistic3A_31 = arith.constant 1.000000e+00 : f32
    %logistic3A_32 = vector.broadcast %logistic3A_31 : f32 to vector<1x1024xf32>
    %logistic3A_33 = arith.addf %logistic3A_32, %logistic3A_30 : vector<1x1024xf32>
    %logistic3A_34 = arith.divf %logistic3A_32, %logistic3A_33 : vector<1x1024xf32>
    %dot_general3A_35 = arith.constant dense<0.000000e+00> : vector<1024x1xf32>
    %dot_general3A_36 = tpu.matmul %logistic3A_34, %broadcast_in_dim3A_9, %dot_general3A_35 {dimension_numbers = #tpu.dot_dimension_numbers<[0], [0], [1], [1], [0, 1, 1, 1], [], []>, precision = #tpu.contract_precision<fp32>, transpose_lhs_hint = false} : vector<1x1024xf32>, vector<1x1xf32>, vector<1024x1xf32> -> vector<1024x1xf32>
    %iota3A = tpu.iota {dimensions = array<i32: 0>} : vector<1024x1024xi32>
    %iota3A_37 = tpu.iota {dimensions = array<i32: 1>} : vector<1024x1024xi32>
    %gt3A = vector.broadcast %logistic3A_34 : vector<1x1024xf32> to vector<1024x1024xf32>
    %gt3A_38 = vector.broadcast %dot_general3A_36 : vector<1024x1xf32> to vector<1024x1024xf32>
    %gt3A_39 = arith.cmpf ogt, %gt3A, %gt3A_38 : vector<1024x1024xf32>
    %eq3A = vector.broadcast %logistic3A_34 : vector<1x1024xf32> to vector<1024x1024xf32>
    %eq3A_40 = vector.broadcast %dot_general3A_36 : vector<1024x1xf32> to vector<1024x1024xf32>
    %eq3A_41 = arith.cmpf oeq, %eq3A, %eq3A_40 : vector<1024x1024xf32>
    %lt3A = arith.cmpi slt, %iota3A_37, %iota3A : vector<1024x1024xi32>
    %and3A = arith.andi %eq3A_41, %lt3A : vector<1024x1024xi1>
    %or3A = arith.ori %gt3A_39, %and3A : vector<1024x1024xi1>
    %jit3A = arith.constant 1.000000e+00 : f32
    %jit3A_42 = arith.constant 0.000000e+00 : f32
    %broadcast_in_dim3A_43 = vector.broadcast %jit3A : f32 to vector<1024x1024xf32>
    %broadcast_in_dim3A_44 = vector.broadcast %jit3A_42 : f32 to vector<1024x1024xf32>
    %select_n3A = arith.select %or3A, %broadcast_in_dim3A_43, %broadcast_in_dim3A_44 : vector<1024x1024xi1>, vector<1024x1024xf32>
    %reduce_sum3A_45 = arith.constant dense<0.000000e+00> : vector<1024xf32>
    %reduce_sum3A_46 = vector.multi_reduction <add>, %select_n3A, %reduce_sum3A_45 [1] : vector<1024x1024xf32> to vector<1024xf32>
    %broadcast_in_dim3A_47 = vector.shape_cast %reduce_sum3A_46 : vector<1024xf32> to vector<1024x1xf32>
    %eq3A_48 = arith.constant 2.560000e+02 : f32
    %eq3A_49 = vector.broadcast %eq3A_48 : f32 to vector<1024x1xf32>
    %eq3A_50 = arith.cmpf oeq, %broadcast_in_dim3A_47, %eq3A_49 : vector<1024x1xf32>
    %jit3A_51 = arith.constant 0.000000e+00 : f32
    %broadcast_in_dim3A_52 = vector.broadcast %jit3A_51 : f32 to vector<1024x1xf32>
    %select_n3A_53 = arith.select %eq3A_50, %dot_general3A_36, %broadcast_in_dim3A_52 : vector<1024x1xi1>, vector<1024x1xf32>
    %reduce_sum3A_54 = vector.shape_cast %select_n3A_53 : vector<1024x1xf32> to vector<1x1024x1xf32>
    %reduce_sum3A_55 = arith.constant dense<0.000000e+00> : vector<1xf32>
    %reduce_sum3A_56 = vector.multi_reduction <add>, %reduce_sum3A_54, %reduce_sum3A_55 [1, 2] : vector<1x1024x1xf32> to vector<1xf32>
    %reduce_sum3A_57 = vector.shape_cast %reduce_sum3A_56 : vector<1xf32> to vector<1x1x1xf32>
    %reduce_sum3A_58 = vector.extract %reduce_sum3A_57[0, 0, 0] : f32 from vector<1x1x1xf32>
    %reduce_sum3A_59 = arith.constant dense<0.000000e+00> : vector<1024xf32>
    %reduce_sum3A_60 = vector.multi_reduction <add>, %reshape3A, %reduce_sum3A_59 [1] : vector<1024x1024xf32> to vector<1024xf32>
    %broadcast_in_dim3A_61 = vector.shape_cast %reduce_sum3A_60 : vector<1024xf32> to vector<1024x1xf32>
    %dot_general3A_62 = arith.constant dense<0.000000e+00> : vector<1x1024xf32>
    %dot_general3A_63 = tpu.matmul %broadcast_in_dim3A_9, %broadcast_in_dim3A_61, %dot_general3A_62 {dimension_numbers = #tpu.dot_dimension_numbers<[1], [1], [0], [0], [0, 0, 1, 0], [], []>, precision = #tpu.contract_precision<fp32>, transpose_lhs_hint = false} : vector<1x1xf32>, vector<1024x1xf32>, vector<1x1024xf32> -> vector<1x1024xf32>
    %add3A_64 = arith.constant 1.000000e+00 : f32
    %add3A_65 = vector.broadcast %add3A_64 : f32 to vector<1024x1xf32>
    %add3A_66 = arith.addf %broadcast_in_dim3A_61, %add3A_65 : vector<1024x1xf32>
    %rsqrt3A_67 = math.rsqrt %add3A_66 : vector<1024x1xf32>
    %add3A_68 = arith.constant 1.000000e+00 : f32
    %add3A_69 = vector.broadcast %add3A_68 : f32 to vector<1x1024xf32>
    %add3A_70 = arith.addf %dot_general3A_63, %add3A_69 : vector<1x1024xf32>
    %rsqrt3A_71 = math.rsqrt %add3A_70 : vector<1x1024xf32>
    %eq3A_72 = arith.cmpi eq, %iota3A, %iota3A_37 : vector<1024x1024xi32>
    %jit3A_73 = arith.constant 1.000000e+00 : f32
    %jit3A_74 = arith.constant 0.000000e+00 : f32
    %broadcast_in_dim3A_75 = vector.broadcast %jit3A_73 : f32 to vector<1024x1024xf32>
    %broadcast_in_dim3A_76 = vector.broadcast %jit3A_74 : f32 to vector<1024x1024xf32>
    %select_n3A_77 = arith.select %eq3A_72, %broadcast_in_dim3A_75, %broadcast_in_dim3A_76 : vector<1024x1024xi1>, vector<1024x1024xf32>
    %gt3A_78 = arith.constant 0.000000e+00 : f32
    %gt3A_79 = vector.broadcast %gt3A_78 : f32 to vector<1024x1xf32>
    %gt3A_80 = arith.cmpf ogt, %broadcast_in_dim3A_61, %gt3A_79 : vector<1024x1xf32>
    %jit3A_81 = arith.constant 0.000000e+00 : f32
    %broadcast_in_dim3A_82 = vector.broadcast %jit3A_81 : f32 to vector<1024x1xf32>
    %select_n3A_83 = arith.select %gt3A_80, %rsqrt3A_67, %broadcast_in_dim3A_82 : vector<1024x1xi1>, vector<1024x1xf32>
    %add3A_84 = arith.constant 1.000000e-07 : f32
    %add3A_85 = vector.broadcast %add3A_84 : f32 to vector<1x1024xf32>
    %add3A_86 = arith.addf %logistic3A_34, %add3A_85 : vector<1x1024xf32>
    %sub3A = vector.broadcast %reduce_sum3A_58 : f32 to vector<1x1024xf32>
    %sub3A_87 = arith.subf %add3A_86, %sub3A : vector<1x1024xf32>
    %max3A = arith.constant 0.000000e+00 : f32
    %max3A_88 = vector.broadcast %max3A : f32 to vector<1x1024xf32>
    %max3A_89 = arith.maximumf %sub3A_87, %max3A_88 : vector<1x1024xf32>
    %add3A_90 = arith.addf %reshape3A, %select_n3A_77 : vector<1024x1024xf32>
    %mul3A_91 = vector.broadcast %select_n3A_83 : vector<1024x1xf32> to vector<1024x1024xf32>
    %mul3A_92 = arith.mulf %mul3A_91, %add3A_90 : vector<1024x1024xf32>
    %mul3A_93 = arith.mulf %rsqrt3A_71, %max3A_89 : vector<1x1024xf32>
    %mul3A_94 = vector.broadcast %mul3A_93 : vector<1x1024xf32> to vector<1024x1024xf32>
    %mul3A_95 = arith.mulf %mul3A_92, %mul3A_94 : vector<1024x1024xf32>
    %abs3A = math.absf %mul3A_95 : vector<1024x1024xf32>
    %reduce_sum3A_96 = arith.constant dense<0.000000e+00> : vector<1024xf32>
    %reduce_sum3A_97 = vector.multi_reduction <add>, %abs3A, %reduce_sum3A_96 [1] : vector<1024x1024xf32> to vector<1024xf32>
    %broadcast_in_dim3A_98 = vector.shape_cast %reduce_sum3A_97 : vector<1024xf32> to vector<1024x1xf32>
    %max3A_99 = arith.constant 9.99999996E-13 : f32
    %max3A_100 = vector.broadcast %max3A_99 : f32 to vector<1024x1xf32>
    %max3A_101 = arith.maximumf %broadcast_in_dim3A_98, %max3A_100 : vector<1024x1xf32>
    %div3A = vector.broadcast %max3A_101 : vector<1024x1xf32> to vector<1024x1024xf32>
    %div3A_102 = arith.divf %mul3A_95, %div3A : vector<1024x1024xf32>
    %swap3A = arith.constant 0 : index
    %swap3A_103 = arith.constant 0 : index
    %swap3A_104 = vector.load %arg6[%swap3A, %swap3A_103] : memref<1024x1024xf32, #tpu.memory_space<vmem>>, vector<1024x1024xf32>
    tpu.vector_store %arg6[%swap3A, %swap3A_103], %div3A_102 {strides = array<i32>} : memref<1024x1024xf32, #tpu.memory_space<vmem>>, vector<1024x1024xf32>,
    %dot_general3A_105 = arith.constant dense<0.000000e+00> : vector<1024x128xf32>
    %dot_general3A_106 = tpu.matmul %div3A_102, %get3A_3, %dot_general3A_105 {dimension_numbers = #tpu.dot_dimension_numbers<[0], [0], [1], [1], [0, 1, 1, 1], [], []>, transpose_lhs_hint = false} : vector<1024x1024xf32>, vector<1024x128xf32>, vector<1024x128xf32> -> vector<1024x128xf32>
    %swap3A_107 = arith.constant 0 : index
    %swap3A_108 = arith.constant 0 : index
    %swap3A_109 = vector.load %arg4[%swap3A_107, %swap3A_108] : memref<1024x128xf32, #tpu.memory_space<vmem>>, vector<1024x128xf32>
    tpu.vector_store %arg4[%swap3A_107, %swap3A_108], %dot_general3A_106 {strides = array<i32>} : memref<1024x128xf32, #tpu.memory_space<vmem>>, vector<1024x128xf32>,
    %dot_general3A_110 = arith.constant dense<0.000000e+00> : vector<1024x1024xf32>
    %dot_general3A_111 = tpu.matmul %reshape3A, %div3A_102, %dot_general3A_110 {dimension_numbers = #tpu.dot_dimension_numbers<[1], [0], [0], [1], [0, 0, 1, 1], [], []>, transpose_lhs_hint = false} : vector<1024x1024xf32>, vector<1024x1024xf32>, vector<1024x1024xf32> -> vector<1024x1024xf32>
    %dot_general3A_112 = arith.constant dense<0.000000e+00> : vector<1024x1024xf32>
    %dot_general3A_113 = tpu.matmul %div3A_102, %dot_general3A_111, %dot_general3A_112 {dimension_numbers = #tpu.dot_dimension_numbers<[0], [0], [1], [1], [0, 1, 1, 1], [], []>, transpose_lhs_hint = false} : vector<1024x1024xf32>, vector<1024x1024xf32>, vector<1024x1024xf32> -> vector<1024x1024xf32>
    %mul3A_114 = arith.constant 1.000000e+04 : f32
    %mul3A_115 = vector.broadcast %mul3A_114 : f32 to vector<1024x1024xf32>
    %mul3A_116 = arith.mulf %dot_general3A_113, %mul3A_115 : vector<1024x1024xf32>
    %floor3A = math.floor %mul3A_116 : vector<1024x1024xf32>
    %div3A_117 = arith.constant 1.000000e+04 : f32
    %div3A_118 = vector.broadcast %div3A_117 : f32 to vector<1024x1024xf32>
    %div3A_119 = arith.divf %floor3A, %div3A_118 : vector<1024x1024xf32>
    %swap3A_120 = arith.constant 0 : index
    %swap3A_121 = arith.constant 0 : index
    %swap3A_122 = vector.load %arg5[%swap3A_120, %swap3A_121] : memref<1024x1024xf32, #tpu.memory_space<vmem>>, vector<1024x1024xf32>
    tpu.vector_store %arg5[%swap3A_120, %swap3A_121], %div3A_119 {strides = array<i32>} : memref<1024x1024xf32, #tpu.memory_space<vmem>>, vector<1024x1024xf32>,
    %iota3A_123 = tpu.iota {dimensions = array<i32: 1>} : vector<1024x512xi32>
    %iota3A_124 = tpu.iota {dimensions = array<i32: 0>} : vector<1024x512xi32>
    %convert_element_type3A = arith.fptosi %broadcast_in_dim3A_47 : vector<1024x1xf32> to vector<1024x1xi32>
    %eq3A_125 = vector.broadcast %convert_element_type3A : vector<1024x1xi32> to vector<1024x512xi32>
    %eq3A_126 = arith.cmpi eq, %iota3A_123, %eq3A_125 : vector<1024x512xi32>
    %jit3A_127 = arith.constant 0 : i32
    %broadcast_in_dim3A_128 = vector.broadcast %jit3A_127 : i32 to vector<1024x512xi32>
    %select_n3A_129 = arith.select %eq3A_126, %iota3A_124, %broadcast_in_dim3A_128 : vector<1024x512xi1>, vector<1024x512xi32>
    %reduce_sum3A_130 = arith.constant dense<0> : vector<512xi32>
    %reduce_sum3A_131 = vector.multi_reduction <add>, %select_n3A_129, %reduce_sum3A_130 [0] : vector<1024x512xi32> to vector<512xi32>
    %broadcast_in_dim3A_132 = vector.shape_cast %reduce_sum3A_131 : vector<512xi32> to vector<1x512xi32>
    %swap3A_133 = arith.constant 0 : index
    %swap3A_134 = arith.constant 0 : index
    %swap3A_135 = vector.load %arg7[%swap3A_133, %swap3A_134] : memref<1x512xi32, #tpu.memory_space<vmem>>, vector<1x512xi32>
    tpu.vector_store %arg7[%swap3A_133, %swap3A_134], %broadcast_in_dim3A_132 {strides = array<i32>} : memref<1x512xi32, #tpu.memory_space<vmem>>, vector<1x512xi32>,
    return
  }
}

</mosaic_0001>

<sc_bundles>
// kernel: kernel.4.cloned.1.call-start
scs
__scs_entry_jumppad:
0x0: {  	(pc) =	sbr.rel $0x88, $3  }
0x1: {  	(tag) =	ssettag $0x0;
	lr =	simm.s32 $0x1  }
0x2: {  	[smem:$0x3F9C] =	sst lr;
	_ =	strace $0xD0000000  }
0x3: {  	_ = 	snop  }
0x4: {  	_ = 	snop  }
0x5: {  	_ = 	snop  }
0x6: {  	_ = 	snop  }
0x7: {  	_ = 	snop  }
__scs_overlays_trampoline_lowered:
0x8: {  	[smem:$0x3FAB] =	sst s0  }
0x9: {  	[smem:$0x3FAC] =	sst s1  }
0xa: {  	[smem:$0x3FAD] =	sst s2  }
0xb: {  	[smem:$0x3FAE] =	sst s3  }
0xc: {  	[smem:$0x3FAF] =	sst s4  }
0xd: {  	[smem:$0x3FB0] =	sst s5  }
0xe: {  	[smem:$0x3FB1] =	sst s6  }
0xf: {  	[smem:$0x3FB2] =	sst s7  }
0x10: {  	[smem:$0x3FB3] =	sst s8  }
0x11: {  	[smem:$0x3FB4] =	sst s9;
	s0 =	simm.s32 @!p0 $0x0  }
0x12: {  	s1 =	sld [smem:$0x3F9A];
	s0 =	simm.s32 @p0 $0x1  }
0x13: {  	[smem:$0x3FB5] =	sst s0;
	s0 =	simm.s32 @!p1 $0x0  }
0x14: {  	s2 =	sld [smem:$0x3F99];
	s0 =	simm.s32 @p1 $0x1  }
0x15: {  	[smem:$0x3FB6] =	sst s0;
	s0 =	simm.s32 @!p2 $0x0  }
0x16: {  	s3 =	sld [smem:$0x3FDB];
	s0 =	simm.s32 @p2 $0x1  }
0x17: {  	s4 =	simm.s32 $0x1BF5;
	[smem:$0x3FB8] =	sst s0  }
0x18: {  	s0 =	sld [smem:$0x3F9B];
	_ =	swait.ge [sflag:s4], $0x0  }
0x19: {  	s7 =	sld [smem:$0x3F9C]  }
0x1a: {  	s8 =	sadd.s32 $0xFFFFE003, lr  }
0x1b: {  	s9 =	sadd.s32 $0xFFFFFEF7, lr;
	s5 =	simm.s32 $0xFFFFFFFF;
	p2 =	slt.u32 s8, $0xFFFFF086  }
0x1c: {  	p1 =	slt.u32 s9, $0xF7A;
	s5 =	simm.s32 @!p2 $0x0  }
0x1d: {  	s5 =	simm.s32 @p1 $0x1;
	p0 =	seq.s32 s7, s2  }
0x1e: {  	s7 =	smul.u32 @!p0 $0xF7A, s2;
	p2 =	seq.s32 @!p0 s5, $0x0  }
0x1f: {  	s9 =	smul.u32 $0xF7A, s1;
	s8 =	simm.s32 @!p0 $0x1BF5;
	p2 =	por !p2, p0  }
0x20: {  	[sflag:s8] =	ssyncset.s32 @!p0 $0xFFFFF086;
	s6 =	sadd.s32 @!p0 s3, s7;
	s7 =	simm.s32 @!p0 $0x108  }
0x21: {  	s3 =	sadd.s32 s3, s9;
	s6 =	sadd.s32 @!p0 $0x88, s6;
	s7 =	simm.s32 @p2 $0x1082  }
0x22: {  	[simem:s7], [sflag:s8] =	dma.local @!p0 [hbm:s6], $0xF7A  }
0x23: {  	s9 =	sor.u32 $0xD0000000, s2;
	s6 =	simm.s32 $0x108;
	_ =	swait.ge @!p0 [sflag:s8], $0x0  }
0x24: {  	s3 =	sadd.s32 $0x88, s3;
	s6 =	simm.s32 @!p1 $0x1082;
	[sflag:s4] =	ssyncset.s32 $0xFFFFF086  }
0x25: {  	[simem:s6], [sflag:s4] =	dma.local [hbm:s3], $0xF7A  }
0x26: {  	[smem:$0x3F9C] =	sst s1;
	(tag) =	ssettag s2;
	_ =	strace s9  }
0x27: {  	s1 =	sld [smem:$0x3FAC]  }
0x28: {  	s2 =	sld [smem:$0x3FAD]  }
0x29: {  	s4 =	sld [smem:$0x3FAF]  }
0x2a: {  	p0 =	seq.s32 s5, $0x0;
	s5 =	sld [smem:$0x3FB0]  }
0x2b: {  	s6 =	sld [smem:$0x3FB1]  }
0x2c: {  	s7 =	sld [smem:$0x3FB2]  }
0x2d: {  	s3 =	simm.s32 $0x108;
	s8 =	sld [smem:$0x3FB3]  }
0x2e: {  	s3 =	simm.s32 @!p0 $0x1082;
	s9 =	sld [smem:$0x3FB4]  }
0x2f: {  	lr =	sadd.s32 s0, s3;
	s0 =	sld [smem:$0x3FAB]  }
0x30: {  	s3 =	sld [smem:$0x3FAE]  }
0x31: {  	[smem:$0x3FB7] =	sst s10  }
0x32: {  	s10 =	sld [smem:$0x3FB5];
	_ =	sdelay $0x3  }
0x33: {  	p0 =	seq.s32 s10, $0x1;
	s10 =	sld [smem:$0x3FB7];
	_ =	sdelay $0x3  }
0x34: {  	[smem:$0x3FB7] =	sst s10  }
0x35: {  	s10 =	sld [smem:$0x3FB6];
	_ =	sdelay $0x3  }
0x36: {  	p1 =	seq.s32 s10, $0x1;
	s10 =	sld [smem:$0x3FB7];
	_ =	sdelay $0x3  }
0x37: {  	[smem:$0x3FB7] =	sst s10  }
0x38: {  	s10 =	sld [smem:$0x3FB8]  }
0x39: {  	_ = 	snop;
	(pc) =	sbr.ind lr, $3  }
0x3a: {  	_ = 	snop  }
0x3b: {  	_ = 	snop  }
0x3c: {  	p2 =	seq.s32 s10, $0x1;
	s10 =	sld [smem:$0x3FB7]  }
0x3d: {  	_ =	shalt  }
0x3e: {  	_ =	shalt  }
0x3f: {  	_ =	shalt  }
0x40: {  	_ =	shalt  }
0x41: {  	_ =	shalt  }
0x42: {  	_ =	shalt  }
0x43: {  	_ =	shalt  }
0x44: {  	_ =	shalt  }
0x45: {  	_ =	shalt  }
0x46: {  	_ =	shalt  }
0x47: {  	_ =	shalt  }
0x48: {  	_ =	shalt  }
0x49: {  	_ =	shalt  }
0x4a: {  	_ =	shalt  }
0x4b: {  	_ =	shalt  }
0x4c: {  	_ =	shalt  }
0x4d: {  	_ =	shalt  }
0x4e: {  	_ =	shalt  }
0x4f: {  	_ =	shalt  }
0x50: {  	_ =	shalt  }
0x51: {  	_ =	shalt  }
0x52: {  	_ =	shalt  }
0x53: {  	_ =	shalt  }
0x54: {  	_ =	shalt  }
0x55: {  	_ =	shalt  }
0x56: {  	_ =	shalt  }
0x57: {  	_ =	shalt  }
0x58: {  	_ =	shalt  }
0x59: {  	_ =	shalt  }
0x5a: {  	_ =	shalt  }
0x5b: {  	_ =	shalt  }
0x5c: {  	_ =	shalt  }
0x5d: {  	_ =	shalt  }
0x5e: {  	_ =	shalt  }
0x5f: {  	_ =	shalt  }
0x60: {  	_ =	shalt  }
0x61: {  	_ =	shalt  }
0x62: {  	_ =	shalt  }
0x63: {  	_ =	shalt  }
0x64: {  	_ =	shalt  }
0x65: {  	_ =	shalt  }
0x66: {  	_ =	shalt  }
0x67: {  	_ =	shalt  }
0x68: {  	_ =	shalt  }
0x69: {  	_ =	shalt  }
0x6a: {  	_ =	shalt  }
0x6b: {  	_ =	shalt  }
0x6c: {  	_ =	shalt  }
0x6d: {  	_ =	shalt  }
0x6e: {  	_ =	shalt  }
0x6f: {  	_ =	shalt  }
0x70: {  	_ =	shalt  }
0x71: {  	_ =	shalt  }
0x72: {  	_ =	shalt  }
0x73: {  	_ =	shalt  }
0x74: {  	_ =	shalt  }
0x75: {  	_ =	shalt  }
0x76: {  	_ =	shalt  }
0x77: {  	_ =	shalt  }
0x78: {  	_ =	shalt  }
0x79: {  	_ =	shalt  }
0x7a: {  	_ =	shalt  }
0x7b: {  	_ =	shalt  }
0x7c: {  	_ =	shalt  }
0x7d: {  	_ =	shalt  }
0x7e: {  	_ =	shalt  }
0x7f: {  	_ =	shalt  }
0x80: {  	_ =	shalt  }
0x81: {  	_ =	shalt  }
0x82: {  	_ =	shalt  }
0x83: {  	_ =	shalt  }
0x84: {  	_ =	shalt  }
0x85: {  	_ =	shalt  }
0x86: {  	_ =	shalt  }
0x87: {  	_ =	shalt  }
.Lfunc_end0:
.L_simem_size_0:
called_computation_lowered:
.L_overlay_start_0:
0x88: {  	s2 =	sld [smem:$0x3FD9]  }
0x89: {  	s3 =	sld [smem:$0x3FFE];
	_ =	sdelay $0x1  }
0x8a: {  	s1 =	srdreg.scid  }
0x8b: {  	s0 =	sand.u32 $0x1, s1  }
0x8c: {  	s15 =	sshll.u32 s0, $0xA;
	s2 =	sadd.s32 s3, s2  }
0x8d: {  	s2 =	sadd.s32 s2, s15  }
0x8e: {  	[smem:$0x3FC3] =	sst s2  }
0x8f: {  	_ = 	snop  }
0x90: {  	s2 =	sld [smem:$0x3FD0];
	_ =	sdelay $0x1  }
0x91: {  	s16 =	sld [smem:$0x3FC8]  }
0x92: {  	s5 =	simm.s32 $0xA;
	s6 =	simm.s32 $0x10;
	s4 =	sld [smem:$0x3FC7]  }
0x93: {  	[smem:s6], [sflag:s5] =	dma.local [hbm:s2], $0x1  }
0x94: {  	_ =	swait.eq [sflag:s5], $0x1  }
0x95: {  	[sflag:s5] =	ssyncset.done $0x0  }
0x96: {  	[sflag:s5] =	ssyncadd.s32 $0xFFFFFFFF  }
0x97: {  	s17 =	sld [smem:$0x12];
	(tm) =	ssettm $0x1  }
0x98: {  	s18 =	sld [smem:$0x3FFB];
	_ =	sdelay $0x3  }
0x99: {  	_ =	strace s18  }
0x9a: {  	s5 =	sld [smem:$0x3FFC];
	_ =	sdelay $0x3  }
0x9b: {  	_ =	strace s5  }
0x9c: {  	s5 =	sld [smem:$0x3FFD];
	_ =	sdelay $0x3  }
0x9d: {  	_ =	strace s5  }
0x9e: {  	_ =	strace $0x8FFFFFFF  }
0x9f: {  	s19 =	sld [smem:$0x3FDB];
	_ =	sdelay $0x1  }
0xa0: {  	s20 =	simm.s32 $_scs_section_size  }
0xa1: {  	s7 =	simm.s32 $_size__tile_overlayer_lowered;
	s8 =	simm.s32 $_tile_overlayer_lowered  }
0xa2: {  	s23 =	simm.s32 $0x1BFF;
	s22 =	sshll.u32 s8, $0x1;
	s5 =	sadd.s32 s20, s19  }
0xa3: {  	s9 =	simm.s32 $0x0;
	s21 =	sshll.u32 s7, $0x1;
	s7 =	sadd.s32 s22, s5  }
0xa4: {  	[timem:s9], [sflag:s23] =	dma.local [hbm:s7], s21  }
0xa5: {  	_ =	swait.ge [sflag:s23], s21  }
0xa6: {  	s6 =	ssub.s32 $0x0, s21;
	[sflag:s23] =	ssyncset.done $0x0  }
0xa7: {  	[sflag:s23] =	ssyncadd.s32 s6;
	_ =	sdelay $0x1  }
0xa8: {  	s24 =	simm.s32 $0x1B8B  }
0xa9: {  	_ =	swait.ge [sflag:s24], $0x1  }
0xaa: {  	[sflag:s24] =	ssyncset.done $0x0  }
0xab: {  	s25 =	simm.s32 $0x1B8E;
	[sflag:s24] =	ssyncadd.s32 $0xFFFFFFFF  }
0xac: {  	s26 =	simm.s32 $execute0_lowered;
	[smem:$0x3FD2] =	sst s25  }
0xad: {  	s6 =	sshll.u32 s26, $0x1;
	_ =	strace $0x80000046;
	[dreg:$0x1] =	wrdreg $0xFFFFFFFF  }
0xae: {  	s28 =	simm.s32 $_size_execute0_lowered;
	s5 =	sadd.s32 s5, s6;
	[dreg:$0x0] =	wrdreg $0x0  }
0xaf: {  	s6 =	sshll.u32 s28, $0x1;
	[dreg:$0x2] =	wrdreg s5  }
0xb0: {  	[dreg:$0x3] =	wrdreg s6  }
0xb1: {  	[dreg:$0x4] =	wrdreg $0xC0  }
0xb2: {  	_ =	task [dreg:s9], $0x5FFFF  }
0xb3: {  	[dreg:$0x1] =	wrdreg $0xFFFFFFFF  }
0xb4: {  	[dreg:$0x0] =	wrdreg $0x60  }
0xb5: {  	[dreg:$0x2] =	wrdreg s16  }
0xb6: {  	[dreg:$0x3] =	wrdreg s4  }
0xb7: {  	[dreg:$0x4] =	wrdreg s17  }
0xb8: {  	[dreg:$0x5] =	wrdreg $0x40000  }
0xb9: {  	[dreg:$0x6] =	wrdreg $0x9  }
0xba: {  	_ =	task.clear_ibuf [dreg:s9], $0x7FFFF;
	_ =	strace $0x90000046  }
0xbb: {  	s29 =	simm.s32 $0x9;
	_ =	strace $0x80000048  }
0xbc: {  	_ =	swait.ge [sflag:s29], $0x1  }
0xbd: {  	[sflag:s29] =	ssyncadd.s32 $0xFFFFFFFF  }
0xbe: {  	_ =	strace $0x90000048  }
0xbf: {  	_ =	sfence  }
0xc0: {  	s30 =	sld [smem:$0x0];
	_ =	sdelay $0x2  }
0xc1: {  	s31 =	sshll.u32 s1, $0xD;
	s1 =	sshrl.u32 s1, $0x2  }
0xc2: {  	s3 =	sand.u32 $0x4000, s31;
	s1 =	sadd.s32 s1, s30  }
0xc3: {  	s0 =	sor.u32 s3, s0;
	s1 =	sshll.u32 s1, $0x11  }
0xc4: {  	s0 =	sor.u32 s1, s0  }
0xc5: {  	s0 =	sadd.s32 $0x8F2B, s0  }
0xc6: {  	[sflag:s0] =	ssyncadd.remote.s32 $0x1  }
0xc7: {  	_ =	sfence.sel $0xFFFF  }
0xc8: {  	[dreg:$0x0] =	wrdreg $0xFFFFFFFF;
	(pc) =	sbr.abs _section_cstart, $3  }
0xc9: {  	[dreg:$0x1] =	wrdreg $0xFFFFFFFF  }
0xca: {  	_ =	task.clear_ibuf [dreg:s9], $0x2FFFF;
	_ =	strace $0x9FFFFFFF  }
0xcb: {  	(tm) =	ssettm $0x7FFFFFFF  }
tec
execute0_lowered:
.L_overlay_start_1:
0x0: {  	(tag) =	ssettag $0x1  }
0x1: {  	s0 =	rddreg [dreg:$0x0]  }
0x2: {  	s4 =	rddreg [dreg:$0x1]  }
0x3: {  	s12 =	rddreg [dreg:$0x2];
	s2 =	srdreg.scid  }
0x4: {  	s1 =	rddreg [dreg:$0x3];
	s3 =	simm.s32 $0x0;
	s15 =	simm.s32 $0x80  }
0x5: {  	s16 =	simm.s32 $0x100;
	s17 =	simm.s32 $0x3;
	s19 =	simm.s32 $0x2000  }
0x6: {  	s20 =	simm.s32 $0x1;
	s21 =	simm.s32 $0x2;
	s28 =	simm.s32 $0x1F00  }
0x7: {  	s29 =	simm.s32 $0x1700;
	s30 =	simm.s32 $0x1F80;
	s31 =	simm.s32 $0x1780  }
0x8: {  	s9 =	sand.u32 $0x1, s2;
	[smem:$0x7FF] =	sst s3;
	s2 =	stileid.u32  }
0x9: {  	s5 =	ssub.s32 $0x2, s9;
	_ =	strace $0x80000047;
	s10 =	sshll.u32 s2, $0x4  }
0xa: {  	s24 =	sshll.u32 s2, $0x8;
	s25 =	sshll.u32 s2, $0x9;
	s11 =	sshll.u32 s2, $0xF  }
0xb: {  	s26 =	sshll.u32 s9, $0x13;
	s6 =	sshrl.u32 s5, $0x1;
	s4 =	sadd.s32 s4, s24  }
0xc: {  	s18 =	sor.u32 $0x80000, s10;
	s14 =	sor.u32 s11, s26;
	s24 =	simm.s32 $0x1600  }
0xd: {  	v0 =	vmov s26;
	s26 =	simm.s32 $0x1680;
	s13 =	ssub.s32 s5, s6;
	s5 =	sadd.s32 s0, s25  }
0xe: {  	s6 =	sadd.s32 s11, s1;
	s11 =	sadd.s32 s18, s1;
	s14 =	sshrl.u32 s14, $0x3  }
0xf: {  	s25 =	simm.s32 $0x1E80;
	s0 =	simm.s32 $0x0;
	s7 =	sadd.s32 $0x10, s5  }
0x10: {  	v1 =	vsub.s32 $0x0, v0;
	s8 =	sadd.s32 $0x2000, s6;
	s9 =	sadd.s32 $0x4000, s6;
	s10 =	sadd.s32 $0x6000, s6  }
0x11: {  	v2 =	vimm.f32 $0.0e+00;
	v0 =	vmov s18;
	s12 =	sadd.s32 s12, s14;
	s13 =	smax.u32 s13, $0x1;
	s14 =	simm.s32 $0x1000;
	v1 =	vbroadcast v1, $0x0  }
.LBB2_1:
0x12: {  	[tilespmem:s14], [sflag:$0x1] =	stream.linear.gather [hbm4b:s4+s3], $0x800, $0x38;
	[tilespmem:$0xC010] =	vst v63  }
0x13: {  	_ = 	snop  }
0x14: {  	[tilespmem:s3], [sflag:$0x3] =	stream.strided.gather [hbm4b:s5+s15], $0x800, s16, s15, $0x38;
	[tilespmem:$0xC010] =	vst v63  }
0x15: {  	_ =	swait.ge [sflag:s17], $0x800  }
0x16: {  	[sflag:s17] =	ssyncset.done $0x0  }
0x17: {  	s18 =	simm.s32 $0x800;
	[sflag:s17] =	ssyncadd.s32 $0xFFFFF800  }
0x18: {  	[tilespmem:s18], [sflag:$0x3] =	stream.strided.gather [hbm4b:s7+s15], $0x800, s16, s15, $0x38;
	[tilespmem:$0xC010] =	vst v63  }
0x19: {  	_ =	swait.ge [sflag:s17], $0x800  }
0x1a: {  	[sflag:s17] =	ssyncset.done $0x0  }
0x1b: {  	s22 =	simm.s32 $0x0;
	s18 =	simm.s32 $0x40;
	[sflag:s17] =	ssyncadd.s32 $0xFFFFF800  }
.LBB2_2:
0x1c: {  	p0 =	sne.s32 s18, $0x7FC0;
	[tilespmem:s22+$0x2000] =	vst v2;
	s22 =	smov.u32 s18;
	s18 =	sadd.s32 $0x40, s18  }
.Ltmp0:
0x1d: {  	(pc) =	sbr.rel @p0 .LBB2_2-.Ltmp0, $2  }
0x1e: {  	_ =	sdelay $0x2  }
0x1f: {  	s22 =	sshra.s32 s22, $0x2  }
0x20: {  	[tilespmem:s22+$0x2000] =	vst v2  }
0x21: {  	[spmem:s6] =	stream.linear.scatter [tilespmem:s19], [sflag:$0x2], $0x2000, $0x38;
	[tilespmem:$0xC010] =	vst v63  }
0x22: {  	_ = 	snop  }
0x23: {  	[spmem:s8] =	stream.linear.scatter [tilespmem:s19], [sflag:$0x2], $0x2000, $0x38;
	[tilespmem:$0xC010] =	vst v63  }
0x24: {  	_ = 	snop  }
0x25: {  	[spmem:s9] =	stream.linear.scatter [tilespmem:s19], [sflag:$0x2], $0x2000, $0x38;
	[tilespmem:$0xC010] =	vst v63  }
0x26: {  	_ = 	snop  }
0x27: {  	[spmem:s10] =	stream.linear.scatter [tilespmem:s19], [sflag:$0x2], $0x2000, $0x38;
	[tilespmem:$0xC010] =	vst v63  }
0x28: {  	s18 =	simm.s32 $0x0  }
0x29: {  	[spmem:s11] =	stream.linear.scatter [tilespmem:s19], [sflag:$0x2], $0x10, $0x38;
	[tilespmem:$0xC010] =	vst v63  }
0x2a: {  	v3 =	vld [tilespmem:s18+$0x70]  }
0x2b: {  	v4 =	vld [tilespmem:s18+$0x870]  }
0x2c: {  	v5 =	vld [tilespmem:s18+$0x0]  }
0x2d: {  	v6 =	vld [tilespmem:s18+$0x800]  }
0x2e: {  	v7 =	vld [tilespmem:s18+$0x10]  }
0x2f: {  	v8 =	vld [tilespmem:s18+$0x810]  }
0x30: {  	v3 =	vshll.u32 v3, $0xA;
	v4 =	vadd.s32 v1, v4  }
0x31: {  	v9 =	vld [tilespmem:s18+$0x20];
	v3 =	vadd.s32 v3, v4  }
0x32: {  	v10 =	vld [tilespmem:s18+$0x820];
	vm0 =	vlt.u32 v3, $0x80000  }
0x33: {  	v11 =	vld [tilespmem:s18+$0x30];
	v4 =	vshll.u32 v5, $0xA;
	v5 =	vadd.s32 v1, v6;
	v3 =	vsel vm0, v3, v0  }
0x34: {  	v12 =	vld [tilespmem:s18+$0x830];
	v4 =	vadd.s32 v4, v5;
	v5 =	vadd.s32 v1, v8;
	[tilespmem:s18+$0x1870] =	vst v3;
	v3 =	vshll.u32 v7, $0xA  }
0x35: {  	v13 =	vld [tilespmem:s18+$0x40];
	vm0 =	vlt.u32 v4, $0x80000;
	v3 =	vadd.s32 v3, v5  }
0x36: {  	v14 =	vld [tilespmem:s18+$0x840];
	v4 =	vsel vm0, v4, v0;
	vm0 =	vlt.u32 v3, $0x80000  }
0x37: {  	v7 =	vadd.s32 v1, v10;
	[tilespmem:s18+$0x1800] =	vst v4;
	v5 =	vld [tilespmem:s18+$0x50];
	v4 =	vshll.u32 v9, $0xA;
	v3 =	vsel vm0, v3, v0  }
0x38: {  	v6 =	vld [tilespmem:s18+$0x850];
	[tilespmem:s18+$0x1810] =	vst v3;
	v3 =	vadd.s32 v4, v7  }
0x39: {  	v8 =	vshll.u32 v11, $0xA;
	v9 =	vadd.s32 v1, v12;
	v4 =	vld [tilespmem:s18+$0x60];
	vm0 =	vlt.u32 v3, $0x80000  }
0x3a: {  	s22 =	simm.s32 $0x80;
	v8 =	vadd.s32 v8, v9;
	v7 =	vld [tilespmem:s18+$0x860];
	v10 =	vsel vm0, v3, v0  }
0x3b: {  	s23 =	simm.s32 $0x400;
	v9 =	vshll.u32 v13, $0xA;
	v3 =	vld [tilespmem:s22+$0x70];
	vm0 =	vlt.u32 v8, $0x80000;
	[tilespmem:s18+$0x1820] =	vst v10;
	v10 =	vadd.s32 v1, v14  }
.LBB2_4:
0x3c: {  	p0 =	sne.s32 s23, $0x1E00;
	v11 =	vld [tilespmem:s22+$0x870];
	v8 =	vsel vm0, v8, v0;
	v9 =	vadd.s32 v9, v10;
	v5 =	vshll.u32 v5, $0xA  }
0x3d: {  	v10 =	vld [tilespmem:s22+$0x0];
	[tilespmem:s18+$0x1830] =	vst v8;
	vm0 =	vlt.u32 v9, $0x80000;
	v6 =	vadd.s32 v1, v6  }
0x3e: {  	v8 =	vld [tilespmem:s22+$0x800];
	v9 =	vsel vm0, v9, v0;
	v5 =	vadd.s32 v5, v6;
	v4 =	vshll.u32 v4, $0xA  }
0x3f: {  	v6 =	vld [tilespmem:s22+$0x10];
	[tilespmem:s18+$0x1840] =	vst v9;
	vm0 =	vlt.u32 v5, $0x80000;
	v7 =	vadd.s32 v1, v7  }
0x40: {  	v9 =	vld [tilespmem:s22+$0x810];
	v5 =	vsel vm0, v5, v0;
	v4 =	vadd.s32 v4, v7  }
0x41: {  	v3 =	vshll.u32 v3, $0xA;
	v7 =	vld [tilespmem:s22+$0x20];
	v11 =	vadd.s32 v1, v11;
	[tilespmem:s18+$0x1850] =	vst v5;
	vm0 =	vlt.u32 v4, $0x80000  }
0x42: {  	v5 =	vshll.u32 v10, $0xA;
	v10 =	vld [tilespmem:s22+$0x820];
	v3 =	vadd.s32 v3, v11;
	v4 =	vsel vm0, v4, v0  }
0x43: {  	v8 =	vadd.s32 v1, v8;
	v11 =	vld [tilespmem:s22+$0x30];
	vm0 =	vlt.u32 v3, $0x80000;
	[tilespmem:s18+$0x1860] =	vst v4;
	s18 =	smov.u32 s22  }
0x44: {  	v4 =	vadd.s32 v5, v8;
	v5 =	vshll.u32 v6, $0xA;
	v8 =	vld [tilespmem:s18+$0x830];
	v3 =	vsel vm0, v3, v0  }
0x45: {  	vm0 =	vlt.u32 v4, $0x80000;
	v6 =	vadd.s32 v1, v9;
	v9 =	vld [tilespmem:s18+$0x40];
	[tilespmem:s18+$0x1870] =	vst v3  }
0x46: {  	v3 =	vsel vm0, v4, v0;
	v4 =	vadd.s32 v5, v6;
	v6 =	vshll.u32 v7, $0xA;
	v12 =	vld [tilespmem:s18+$0x840]  }
.Ltmp1:
0x47: {  	[tilespmem:s18+$0x1800] =	vst v3;
	vm0 =	vlt.u32 v4, $0x80000;
	v3 =	vadd.s32 v1, v10;
	v5 =	vld [tilespmem:s18+$0x50];
	(pc) =	sbr.rel @p0 .LBB2_4-.Ltmp1, $4  }
0x48: {  	v4 =	vsel vm0, v4, v0;
	v3 =	vadd.s32 v6, v3;
	v7 =	vshll.u32 v11, $0xA;
	v6 =	vld [tilespmem:s18+$0x850]  }
0x49: {  	[tilespmem:s18+$0x1810] =	vst v4;
	vm0 =	vlt.u32 v3, $0x80000;
	v8 =	vadd.s32 v1, v8;
	v4 =	vld [tilespmem:s18+$0x60]  }
0x4a: {  	s22 =	sshra.s32 s23, $0x2;
	v10 =	vsel vm0, v3, v0;
	v8 =	vadd.s32 v7, v8;
	v9 =	vshll.u32 v9, $0xA;
	v7 =	vld [tilespmem:s18+$0x860]  }
0x4b: {  	s23 =	sadd.s32 $0x200, s23;
	v3 =	vld [tilespmem:s22+$0x70];
	[tilespmem:s18+$0x1820] =	vst v10;
	vm0 =	vlt.u32 v8, $0x80000;
	v10 =	vadd.s32 v1, v12  }
0x4c: {  	v11 =	vld [tilespmem:s22+$0x870];
	v8 =	vsel vm0, v8, v0;
	v9 =	vadd.s32 v9, v10  }
0x4d: {  	v12 =	vld [tilespmem:s22+$0x0];
	v5 =	vshll.u32 v5, $0xA;
	[tilespmem:s18+$0x1830] =	vst v8;
	vm6 =	vlt.u32 v9, $0x80000;
	v6 =	vadd.s32 v1, v6  }
0x4e: {  	v8 =	vld [tilespmem:s22+$0x800];
	v9 =	vsel vm6, v9, v0;
	v5 =	vadd.s32 v5, v6  }
0x4f: {  	v46 =	vld [tilespmem:s22+$0x10];
	v4 =	vshll.u32 v4, $0xA;
	[tilespmem:s18+$0x1840] =	vst v9;
	vm7 =	vlt.u32 v5, $0x80000;
	v7 =	vadd.s32 v1, v7  }
0x50: {  	v47 =	vld [tilespmem:s22+$0x810];
	v5 =	vsel vm7, v5, v0;
	v4 =	vadd.s32 v4, v7  }
0x51: {  	v9 =	vld [tilespmem:s22+$0x20];
	[tilespmem:s18+$0x1850] =	vst v5;
	vm8 =	vlt.u32 v4, $0x80000  }
0x52: {  	v5 =	vld [tilespmem:s22+$0x820];
	v4 =	vsel vm8, v4, v0  }
0x53: {  	v49 =	vld [tilespmem:s22+$0x30];
	[tilespmem:s18+$0x1860] =	vst v4  }
0x54: {  	v3 =	vshll.u32 v3, $0xA;
	v48 =	vadd.s32 v1, v11;
	v52 =	vld [tilespmem:s22+$0x830]  }
0x55: {  	v3 =	vadd.s32 v3, v48;
	v53 =	vld [tilespmem:s22+$0x40]  }
0x56: {  	vm9 =	vlt.u32 v3, $0x80000;
	v54 =	vld [tilespmem:s22+$0x840]  }
0x57: {  	v50 =	vshll.u32 v12, $0xA;
	v3 =	vsel vm9, v3, v0;
	v55 =	vld [tilespmem:s22+$0x50]  }
0x58: {  	v51 =	vadd.s32 v1, v8;
	v56 =	vld [tilespmem:s22+$0x850];
	[tilespmem:s22+$0x1870] =	vst v3;
	v3 =	vshll.u32 v46, $0xA;
	v6 =	vadd.s32 v1, v47  }
0x59: {  	v4 =	vadd.s32 v50, v51;
	v57 =	vld [tilespmem:s22+$0x60];
	v3 =	vadd.s32 v3, v6  }
0x5a: {  	v59 =	vld [tilespmem:s22+$0x860];
	vm10 =	vlt.u32 v4, $0x80000;
	vm11 =	vlt.u32 v3, $0x80000  }
0x5b: {  	v4 =	vsel vm10, v4, v0;
	v5 =	vadd.s32 v1, v5;
	v3 =	vsel vm11, v3, v0  }
0x5c: {  	v58 =	vshll.u32 v49, $0xA;
	[tilespmem:s22+$0x1810] =	vst v3;
	v3 =	vshll.u32 v9, $0xA;
	v8 =	vadd.s32 v1, v52  }
0x5d: {  	[tilespmem:s22+$0x1800] =	vst v4;
	v7 =	vshll.u32 v53, $0xA;
	v60 =	vadd.s32 v1, v54;
	v4 =	vshll.u32 v55, $0xA  }
0x5e: {  	v6 =	vadd.s32 v1, v56;
	v61 =	vshll.u32 v57, $0xA;
	v3 =	vadd.s32 v3, v5  }
0x5f: {  	v62 =	vadd.s32 v1, v59;
	v5 =	vadd.s32 v58, v8;
	vm12 =	vlt.u32 v3, $0x80000  }
0x60: {  	v7 =	vadd.s32 v7, v60;
	vm1 =	vlt.u32 v5, $0x80000;
	v3 =	vsel vm12, v3, v0  }
0x61: {  	vm13 =	vlt.u32 v7, $0x80000;
	v5 =	vsel vm1, v5, v0;
	[tilespmem:s22+$0x1820] =	vst v3;
	v3 =	vadd.s32 v4, v6  }
0x62: {  	v63 =	vsel vm13, v7, v0;
	[tilespmem:s22+$0x1830] =	vst v5;
	v4 =	vadd.s32 v61, v62;
	vm14 =	vlt.u32 v3, $0x80000  }
0x63: {  	[tilespmem:s22+$0x1840] =	vst v63;
	vm15 =	vlt.u32 v4, $0x80000;
	v3 =	vsel vm14, v3, v0  }
0x64: {  	[tilespmem:s22+$0x1850] =	vst v3;
	v3 =	vsel vm15, v4, v0  }
0x65: {  	[tilespmem:s22+$0x1860] =	vst v3  }
0x66: {  	_ =	swait.ge [sflag:s20], $0x800  }
0x67: {  	[sflag:s20] =	ssyncset.done $0x0  }
0x68: {  	[sflag:s20] =	ssyncadd.s32 $0xFFFFF800  }
0x69: {  	_ =	swait.ge [sflag:s21], $0x2000  }
0x6a: {  	[sflag:s21] =	ssyncset.done $0x0  }
0x6b: {  	[sflag:s21] =	ssyncadd.s32 $0xFFFFE000  }
0x6c: {  	_ =	swait.ge [sflag:s21], $0x2000  }
0x6d: {  	[sflag:s21] =	ssyncset.done $0x0  }
0x6e: {  	[sflag:s21] =	ssyncadd.s32 $0xFFFFE000  }
0x6f: {  	_ =	swait.ge [sflag:s21], $0x2000  }
0x70: {  	[sflag:s21] =	ssyncset.done $0x0  }
0x71: {  	[sflag:s21] =	ssyncadd.s32 $0xFFFFE000  }
0x72: {  	_ =	swait.ge [sflag:s21], $0x2000  }
0x73: {  	[sflag:s21] =	ssyncset.done $0x0  }
0x74: {  	[sflag:s21] =	ssyncadd.s32 $0xFFFFE000  }
0x75: {  	_ =	swait.ge [sflag:s21], $0x10  }
0x76: {  	[sflag:s21] =	ssyncset.done $0x0  }
0x77: {  	[sflag:s21] =	ssyncadd.s32 $0xFFFFFFF0  }
0x78: {  	s23 =	simm.s32 $0x1800;
	[bflag:$0x0] =	sbarrier.arrive $0xFFFF  }
0x79: {  	[spmem:s1] =	stream.indirect.scatter.add.f32 [tilespmem:s14], [sflag:$0x1], $0x1, s23, s15, $0xb8;
	[tilespmem:$0xC010] =	vst v63  }
0x7a: {  	s22 =	simm.s32 $0x1880;
	s23 =	simm.s32 $0x1080  }
0x7b: {  	[spmem:s1] =	stream.indirect.scatter.add.f32 [tilespmem:s23], [sflag:$0x1], $0x1, s22, s15, $0xb8;
	[tilespmem:$0xC010] =	vst v63  }
0x7c: {  	s22 =	simm.s32 $0x1900;
	s23 =	simm.s32 $0x1100  }
0x7d: {  	[spmem:s1] =	stream.indirect.scatter.add.f32 [tilespmem:s23], [sflag:$0x1], $0x1, s22, s15, $0xb8;
	[tilespmem:$0xC010] =	vst v63  }
0x7e: {  	s22 =	simm.s32 $0x1980;
	s23 =	simm.s32 $0x1180  }
0x7f: {  	[spmem:s1] =	stream.indirect.scatter.add.f32 [tilespmem:s23], [sflag:$0x1], $0x1, s22, s15, $0xb8;
	[tilespmem:$0xC010] =	vst v63  }
0x80: {  	s22 =	simm.s32 $0x1A00;
	s23 =	simm.s32 $0x1200  }
0x81: {  	[spmem:s1] =	stream.indirect.scatter.add.f32 [tilespmem:s23], [sflag:$0x1], $0x1, s22, s15, $0xb8;
	[tilespmem:$0xC010] =	vst v63  }
0x82: {  	s22 =	simm.s32 $0x1A80;
	s23 =	simm.s32 $0x1280  }
0x83: {  	[spmem:s1] =	stream.indirect.scatter.add.f32 [tilespmem:s23], [sflag:$0x1], $0x1, s22, s15, $0xb8;
	[tilespmem:$0xC010] =	vst v63  }
0x84: {  	s22 =	simm.s32 $0x1B00;
	s23 =	simm.s32 $0x1300  }
0x85: {  	[spmem:s1] =	stream.indirect.scatter.add.f32 [tilespmem:s23], [sflag:$0x1], $0x1, s22, s15, $0xb8;
	[tilespmem:$0xC010] =	vst v63  }
0x86: {  	s22 =	simm.s32 $0x1B80;
	s23 =	simm.s32 $0x1380  }
0x87: {  	[spmem:s1] =	stream.indirect.scatter.add.f32 [tilespmem:s23], [sflag:$0x1], $0x1, s22, s15, $0xb8;
	[tilespmem:$0xC010] =	vst v63  }
0x88: {  	s22 =	simm.s32 $0x1C00;
	s23 =	simm.s32 $0x1400  }
0x89: {  	[spmem:s1] =	stream.indirect.scatter.add.f32 [tilespmem:s23], [sflag:$0x1], $0x1, s22, s15, $0xb8;
	[tilespmem:$0xC010] =	vst v63  }
0x8a: {  	s22 =	simm.s32 $0x1C80;
	s23 =	simm.s32 $0x1480  }
0x8b: {  	[spmem:s1] =	stream.indirect.scatter.add.f32 [tilespmem:s23], [sflag:$0x1], $0x1, s22, s15, $0xb8;
	[tilespmem:$0xC010] =	vst v63  }
0x8c: {  	s22 =	simm.s32 $0x1D00;
	s23 =	simm.s32 $0x1500  }
0x8d: {  	[spmem:s1] =	stream.indirect.scatter.add.f32 [tilespmem:s23], [sflag:$0x1], $0x1, s22, s15, $0xb8;
	[tilespmem:$0xC010] =	vst v63  }
0x8e: {  	s22 =	simm.s32 $0x1D80;
	s23 =	simm.s32 $0x1580  }
0x8f: {  	[spmem:s1] =	stream.indirect.scatter.add.f32 [tilespmem:s23], [sflag:$0x1], $0x1, s22, s15, $0xb8;
	[tilespmem:$0xC010] =	vst v63  }
0x90: {  	s23 =	simm.s32 $0x1E00  }
0x91: {  	[spmem:s1] =	stream.indirect.scatter.add.f32 [tilespmem:s24], [sflag:$0x1], $0x1, s23, s15, $0xb8;
	[tilespmem:$0xC010] =	vst v63  }
0x92: {  	_ = 	snop  }
0x93: {  	[spmem:s1] =	stream.indirect.scatter.add.f32 [tilespmem:s26], [sflag:$0x1], $0x1, s25, s15, $0xb8;
	[tilespmem:$0xC010] =	vst v63  }
0x94: {  	_ = 	snop  }
0x95: {  	[spmem:s1] =	stream.indirect.scatter.add.f32 [tilespmem:s29], [sflag:$0x1], $0x1, s28, s15, $0xb8;
	[tilespmem:$0xC010] =	vst v63  }
0x96: {  	_ = 	snop  }
0x97: {  	[spmem:s1] =	stream.indirect.scatter.add.f32 [tilespmem:s31], [sflag:$0x1], $0x1, s30, s15, $0xb8;
	[tilespmem:$0xC010] =	vst v63  }
0x98: {  	_ =	swait.ge [sflag:s20], $0x80  }
0x99: {  	[sflag:s20] =	ssyncset.done $0x0  }
0x9a: {  	[sflag:s20] =	ssyncadd.s32 $0xFFFFFF80  }
0x9b: {  	_ =	swait.ge [sflag:s20], $0x80  }
0x9c: {  	[sflag:s20] =	ssyncset.done $0x0  }
0x9d: {  	[sflag:s20] =	ssyncadd.s32 $0xFFFFFF80  }
0x9e: {  	_ =	swait.ge [sflag:s20], $0x80  }
0x9f: {  	[sflag:s20] =	ssyncset.done $0x0  }
0xa0: {  	[sflag:s20] =	ssyncadd.s32 $0xFFFFFF80  }
0xa1: {  	_ =	swait.ge [sflag:s20], $0x80  }
0xa2: {  	[sflag:s20] =	ssyncset.done $0x0  }
0xa3: {  	[sflag:s20] =	ssyncadd.s32 $0xFFFFFF80  }
0xa4: {  	_ =	swait.ge [sflag:s20], $0x80  }
0xa5: {  	[sflag:s20] =	ssyncset.done $0x0  }
0xa6: {  	[sflag:s20] =	ssyncadd.s32 $0xFFFFFF80  }
0xa7: {  	_ =	swait.ge [sflag:s20], $0x80  }
0xa8: {  	[sflag:s20] =	ssyncset.done $0x0  }
0xa9: {  	[sflag:s20] =	ssyncadd.s32 $0xFFFFFF80  }
0xaa: {  	_ =	swait.ge [sflag:s20], $0x80  }
0xab: {  	[sflag:s20] =	ssyncset.done $0x0  }
0xac: {  	[sflag:s20] =	ssyncadd.s32 $0xFFFFFF80  }
0xad: {  	_ =	swait.ge [sflag:s20], $0x80  }
0xae: {  	[sflag:s20] =	ssyncset.done $0x0  }
0xaf: {  	[sflag:s20] =	ssyncadd.s32 $0xFFFFFF80  }
0xb0: {  	_ =	swait.ge [sflag:s20], $0x80  }
0xb1: {  	[sflag:s20] =	ssyncset.done $0x0  }
0xb2: {  	[sflag:s20] =	ssyncadd.s32 $0xFFFFFF80  }
0xb3: {  	_ =	swait.ge [sflag:s20], $0x80  }
0xb4: {  	[sflag:s20] =	ssyncset.done $0x0  }
0xb5: {  	[sflag:s20] =	ssyncadd.s32 $0xFFFFFF80  }
0xb6: {  	_ =	swait.ge [sflag:s20], $0x80  }
0xb7: {  	[sflag:s20] =	ssyncset.done $0x0  }
0xb8: {  	[sflag:s20] =	ssyncadd.s32 $0xFFFFFF80  }
0xb9: {  	_ =	swait.ge [sflag:s20], $0x80  }
0xba: {  	[sflag:s20] =	ssyncset.done $0x0  }
0xbb: {  	[sflag:s20] =	ssyncadd.s32 $0xFFFFFF80  }
0xbc: {  	_ =	swait.ge [sflag:s20], $0x80  }
0xbd: {  	[sflag:s20] =	ssyncset.done $0x0  }
0xbe: {  	[sflag:s20] =	ssyncadd.s32 $0xFFFFFF80  }
0xbf: {  	_ =	swait.ge [sflag:s20], $0x80  }
0xc0: {  	[sflag:s20] =	ssyncset.done $0x0  }
0xc1: {  	[sflag:s20] =	ssyncadd.s32 $0xFFFFFF80  }
0xc2: {  	_ =	swait.ge [sflag:s20], $0x80  }
0xc3: {  	[sflag:s20] =	ssyncset.done $0x0  }
0xc4: {  	[sflag:s20] =	ssyncadd.s32 $0xFFFFFF80  }
0xc5: {  	_ =	swait.ge [sflag:s20], $0x80  }
0xc6: {  	s0 =	sadd.s32 $0x1, s0;
	s22 =	sshll.u32 s2, $0x6;
	[sflag:s20] =	ssyncset.done $0x0  }
0xc7: {  	p0 =	sne.s32 s0, s13;
	s18 =	sor.u32 $0x1C03, s22;
	[sflag:s20] =	ssyncadd.s32 $0xFFFFFF80  }
.Ltmp2:
0xc8: {  	s23 =	sshrl.u32 s6, $0x3;
	[bflag:$0x0] =	sbarrier.arrive $0xFFFF;
	(pc) =	sbr.rel @p0 .LBB2_1-.Ltmp2, $4  }
0xc9: {  	[hbm:s12], [sflag:s18] =	dma.local [spmem:s23], $0x1000  }
0xca: {  	_ =	swait.ge [sflag:s17], $0x1000  }
0xcb: {  	[sflag:s17] =	ssyncset.done $0x0  }
0xcc: {  	[sflag:s17] =	ssyncadd.s32 $0xFFFFF000  }
0xcd: {  	_ =	sfence.sel $0x180000  }
0xce: {  	[bflag:$0x0] =	sbarrier.arrive $0xFFFF  }
0xcf: {  	_ =	strace $0x90000047  }
0xd0: {  	[bflag:$0x2] =	sbarrier.arrive $0xFFFF  }
0xd1: {  	p0 =	sne.s32 s2, $0x0;
	s0 =	rddreg [dreg:$0x4]  }
0xd2: {  	s0 =	sadd.s32 @!p0 $0x100000, s0  }
0xd3: {  	[sflag:s0] =	ssyncadd.tile.s32 @!p0 $0x1;
	_ =	shalt  }
.Lfunc_end2:
_tile_overlayer_lowered:
.L_overlay_start_2:
0xd4: {  	(tag) =	ssettag $0x2  }
0xd5: {  	s0 =	rddreg [dreg:$0x0];
	s2 =	stileid.u32  }
0xd6: {  	s1 =	rddreg [dreg:$0x1];
	p0 =	sne.s32 s2, $0x0  }
0xd7: {  	s3 =	rddreg [dreg:$0x2];
	[bflag:$0x3] =	sbarrier.arrive $0xFFFF;
	s2 =	simm.s32 @!p0 $0x1C03  }
0xd8: {  	[timem:s3], [sflag:s2] =	dma.local @!p0 [hbm:s0], s1  }
0xd9: {  	s0 =	simm.s32 @!p0 $0x3  }
0xda: {  	_ =	swait.ge @!p0 [sflag:s0], s1  }
0xdb: {  	s1 =	ssub.s32 @!p0 $0x0, s1;
	[sflag:s0] =	ssyncset.done @!p0 $0x0  }
0xdc: {  	[sflag:s0] =	ssyncadd.s32 @!p0 s1  }
0xdd: {  	[bflag:$0x3] =	sbarrier.arrive $0xFFFF  }
0xde: {  	_ =	shalt  }

</sc_bundles>
